<compile_context>
chip_gen: v7x
topology: tpu7x:2x2x1
jax: 0.10.2.dev20260603
libtpu: 0.0.44.dev20260713+nightly
codegen_flags: <defaults>
</compile_context>

<pallas_src>
import functools

import jax
import jax.numpy as jnp
from jax import lax
from jax.experimental import pallas as pl
from jax.experimental.pallas import tpu as pltpu
from jax.experimental.pallas import tpu_sc as plsc

N = 10000
NP = 10240
D = 128
DFF = 512
E = 320000
EB = 128
KB = 80
NW = 32
EP = NW * KB * EB
RPT = NP // 16
BLK = 1000
EPS = 1e-5

_mesh = plsc.VectorSubcoreMesh(core_axis_name="c", subcore_axis_name="s")


@functools.partial(
    pl.kernel,
    mesh=_mesh,
    out_type=jax.ShapeDtypeStruct((2, NP), jnp.float32),
    scratch_types=[
        pltpu.VMEM((KB, EB), jnp.int32),
        pltpu.VMEM((EB,), jnp.float32),
        pltpu.VMEM((RPT,), jnp.float32),
        pltpu.SemaphoreType.DMA,
        pltpu.VMEM_SHARED((NP,), jnp.float32),
    ],
)
def _deg_kernel(dst_hbm, out_hbm, idx_v, ones_v, stage_v, dsem, deg_sh):
    c = lax.axis_index("c")
    s = lax.axis_index("s")
    wid = s * 2 + c

    def _ones(i, _):
        ones_v[pl.ds(i * 16, 16)] = jnp.ones((16,), jnp.float32)
        return 0

    lax.fori_loop(0, EB // 16, _ones, 0)

    def _z(k, _):
        stage_v[pl.ds(k * 16, 16)] = jnp.zeros((16,), jnp.float32)
        return 0

    lax.fori_loop(0, RPT // 16, _z, 0)

    pltpu.sync_copy(stage_v, deg_sh.at[pl.ds(s * RPT, RPT)])
    plsc.subcore_barrier()

    pltpu.sync_copy(dst_hbm.at[pl.ds(wid * KB, KB)], idx_v)

    def _scat(g, _):
        for b in range(16):
            pltpu.async_copy(ones_v, deg_sh.at[idx_v.at[g * 16 + b]], dsem,
                             add=True)
        for b in range(16):
            pltpu.make_async_copy(ones_v, deg_sh.at[idx_v.at[0]],
                                  dsem).wait()
        return 0

    lax.fori_loop(0, KB // 16, _scat, 0)
    plsc.subcore_barrier()

    pltpu.sync_copy(deg_sh.at[pl.ds(s * RPT, RPT)],
                    out_hbm.at[c, pl.ds(s * RPT, RPT)])


@functools.partial(
    pl.kernel,
    mesh=_mesh,
    out_type=jax.ShapeDtypeStruct((2, NP, D), jnp.float32),
    scratch_types=[
        pltpu.VMEM((KB // 2, EB), jnp.int32),
        pltpu.VMEM((KB // 2, EB), jnp.int32),
        pltpu.VMEM((EB, D), jnp.float32),
        pltpu.VMEM((EB, D), jnp.float32),
        pltpu.SemaphoreType.DMA,
        pltpu.SemaphoreType.DMA,
        pltpu.VMEM_SHARED((NP, D), jnp.float32),
    ],
)
def _edge_kernel(tbl, src_hbm, dst_hbm, out_hbm, src_v, dst_v, rows_v,
                 rows_w, sema, semb, acc_sh):
    c = lax.axis_index("c")
    s = lax.axis_index("s")
    wid = s * 2 + c

    def _zrow(r, _):
        def _z(k, _2):
            rows_v[r, pl.ds(k * 16, 16)] = jnp.zeros((16,), jnp.float32)
            return 0

        lax.fori_loop(0, D // 16, _z, 0)
        return 0

    lax.fori_loop(0, EB, _zrow, 0)

    def _zacc(k, _):
        pltpu.sync_copy(rows_v, acc_sh.at[pl.ds(s * RPT + k * EB, EB)])
        return 0

    lax.fori_loop(0, RPT // EB, _zacc, 0)
    plsc.subcore_barrier()

    HKB = KB // 2
    for p in range(2):
        pltpu.sync_copy(src_hbm.at[pl.ds(wid * KB + p * HKB, HKB)], src_v)
        pltpu.sync_copy(dst_hbm.at[pl.ds(wid * KB + p * HKB, HKB)], dst_v)
        pltpu.async_copy(tbl.at[src_v.at[0]], rows_v, sema)

        def _edge(j, _):
            ja = 2 * j
            jb = ja + 1
            jc = jnp.minimum(ja + 2, HKB - 1)
            pltpu.make_async_copy(tbl.at[src_v.at[ja]], rows_v,
                                  sema).wait()
            pltpu.async_copy(tbl.at[src_v.at[jb]], rows_w, semb)
            pltpu.sync_copy(rows_v, acc_sh.at[dst_v.at[ja]], add=True)
            pltpu.make_async_copy(tbl.at[src_v.at[jb]], rows_w,
                                  semb).wait()
            pltpu.async_copy(tbl.at[src_v.at[jc]], rows_v, sema)
            pltpu.sync_copy(rows_w, acc_sh.at[dst_v.at[jb]], add=True)
            return 0

        lax.fori_loop(0, HKB // 2, _edge, 0)
        pltpu.make_async_copy(tbl.at[src_v.at[HKB - 1]], rows_v,
                              sema).wait()
    plsc.subcore_barrier()

    pltpu.sync_copy(acc_sh.at[pl.ds(s * RPT, RPT)],
                    out_hbm.at[c, pl.ds(s * RPT, RPT)])


def _prep_body(x_ref, w_ref, degp_ref, h2r_ref, dinv_ref):
    deg = degp_ref[0] + degp_ref[1] + 1.0
    dinv = lax.rsqrt(deg)
    dinv_ref[...] = dinv
    h = jnp.dot(x_ref[...], w_ref[...], preferred_element_type=jnp.float32)
    h2r_ref[...] = h * dinv


def _prep(x, w, degp):
    return pl.pallas_call(
        _prep_body,
        grid=(N // BLK,),
        in_specs=[
            pl.BlockSpec((BLK, D), lambda i: (i, 0)),
            pl.BlockSpec((D, D), lambda i: (0, 0)),
            pl.BlockSpec((2, BLK, 1), lambda i: (0, i, 0)),
        ],
        out_specs=[
            pl.BlockSpec((BLK, D), lambda i: (i, 0)),
            pl.BlockSpec((BLK, 1), lambda i: (i, 0)),
        ],
        out_shape=[
            jax.ShapeDtypeStruct((N, D), jnp.float32),
            jax.ShapeDtypeStruct((N, 1), jnp.float32),
        ],
    )(x, w, degp)


def _mega_body(x_ref, parts_ref, h2_ref, dinv_ref, bg_ref, w1_ref, b1_ref,
               w2_ref, b2_ref, bnw_ref, bnb_ref, o_ref, y_s, z_s, st_s,
               st2_s):
    p = pl.program_id(0)
    i = pl.program_id(1)
    rows = pl.ds(i * BLK, BLK)

    @pl.when(jnp.logical_and(p == 0, i == 0))
    def _():
        st_s[...] = jnp.zeros_like(st_s)
        st2_s[...] = jnp.zeros_like(st2_s)

    @pl.when(p == 0)
    def _():
        gcn = dinv_ref[...] * (parts_ref[0] + parts_ref[1] + h2_ref[...])
        y = x_ref[...] + gcn + bg_ref[0:1, :]
        y_s[rows, :] = y
        st_s[0:1, :] += jnp.sum(y, axis=0, keepdims=True)
        st_s[1:2, :] += jnp.sum(y * y, axis=0, keepdims=True)

    @pl.when(p == 1)
    def _():
        mean = st_s[0:1, :] / N
        var = st_s[1:2, :] / N - mean * mean
        a = bnw_ref[0:1, :] * lax.rsqrt(var + EPS)
        cshift = bnb_ref[0:1, :] - mean * a
        h1 = y_s[rows, :] * a + cshift
        f1 = lax.dot_general(h1, w1_ref[...], (((1,), (1,)), ((), ())),
                             preferred_element_type=jnp.float32)
        f1 = jnp.maximum(f1 + b1_ref[0:1, :], 0.0)
        z = h1 + lax.dot_general(f1, w2_ref[...], (((1,), (1,)), ((), ())),
                                 preferred_element_type=jnp.float32)
        z = z + b2_ref[0:1, :]
        z_s[rows, :] = z
        st2_s[0:1, :] += jnp.sum(z, axis=0, keepdims=True)
        st2_s[1:2, :] += jnp.sum(z * z, axis=0, keepdims=True)

    @pl.when(p == 2)
    def _():
        mean = st2_s[0:1, :] / N
        var = st2_s[1:2, :] / N - mean * mean
        a = bnw_ref[0:1, :] * lax.rsqrt(var + EPS)
        cshift = bnb_ref[0:1, :] - mean * a
        o_ref[...] = z_s[rows, :] * a + cshift


def _mega(x, parts, h2, dinv, bg8, w1, b1_8, w2, b2_8, bnw8, bnb8):
    p0 = lambda p, i: (jnp.where(p == 0, i, 0), 0)
    return pl.pallas_call(
        _mega_body,
        grid=(3, N // BLK),
        in_specs=[
            pl.BlockSpec((BLK, D), p0),
            pl.BlockSpec((2, BLK, D),
                         lambda p, i: (0, jnp.where(p == 0, i, 0), 0)),
            pl.BlockSpec((BLK, D), p0),
            pl.BlockSpec((BLK, 1), p0),
            pl.BlockSpec((8, D), lambda p, i: (0, 0)),
            pl.BlockSpec((DFF, D), lambda p, i: (0, 0)),
            pl.BlockSpec((8, DFF), lambda p, i: (0, 0)),
            pl.BlockSpec((D, DFF), lambda p, i: (0, 0)),
            pl.BlockSpec((8, D), lambda p, i: (0, 0)),
            pl.BlockSpec((8, D), lambda p, i: (0, 0)),
            pl.BlockSpec((8, D), lambda p, i: (0, 0)),
        ],
        out_specs=pl.BlockSpec((BLK, D), lambda p, i: (jnp.where(p == 2, i, 0), 0)),
        out_shape=jax.ShapeDtypeStruct((N, D), jnp.float32),
        scratch_shapes=[
            pltpu.VMEM((N, D), jnp.float32),
            pltpu.VMEM((N, D), jnp.float32),
            pltpu.VMEM((8, 128), jnp.float32),
            pltpu.VMEM((8, 128), jnp.float32),
        ],
    )(x, parts, h2, dinv, bg8, w1, b1_8, w2, b2_8, bnw8, bnb8)


def _comb_body(x_ref, parts_ref, h2_ref, dinv_ref, bg_ref, y_ref, st_ref):
    i = pl.program_id(0)

    @pl.when(i == 0)
    def _():
        st_ref[...] = jnp.zeros_like(st_ref)

    gcn = dinv_ref[...] * (parts_ref[0] + parts_ref[1] + h2_ref[...])
    y = x_ref[...] + gcn + bg_ref[0:1, :]
    y_ref[...] = y
    st_ref[0:1, :] += jnp.sum(y, axis=0, keepdims=True)
    st_ref[1:2, :] += jnp.sum(y * y, axis=0, keepdims=True)


def _combine(x, parts, h2, dinv, bg8):
    return pl.pallas_call(
        _comb_body,
        grid=(N // BLK,),
        in_specs=[
            pl.BlockSpec((BLK, D), lambda i: (i, 0)),
            pl.BlockSpec((2, BLK, D), lambda i: (0, i, 0)),
            pl.BlockSpec((BLK, D), lambda i: (i, 0)),
            pl.BlockSpec((BLK, 1), lambda i: (i, 0)),
            pl.BlockSpec((8, 128), lambda i: (0, 0)),
        ],
        out_specs=[
            pl.BlockSpec((BLK, D), lambda i: (i, 0)),
            pl.BlockSpec((8, 128), lambda i: (0, 0)),
        ],
        out_shape=[
            jax.ShapeDtypeStruct((N, D), jnp.float32),
            jax.ShapeDtypeStruct((8, 128), jnp.float32),
        ],
    )(x, parts, h2, dinv, bg8)


def _ff_body(y_ref, st_ref, w1_ref, b1_ref, w2_ref, b2_ref, bnw_ref, bnb_ref,
             z_ref, st2_ref):
    i = pl.program_id(0)

    @pl.when(i == 0)
    def _():
        st2_ref[...] = jnp.zeros_like(st2_ref)

    mean = st_ref[0:1, :] / N
    var = st_ref[1:2, :] / N - mean * mean
    a = bnw_ref[0:1, :] * lax.rsqrt(var + EPS)
    cshift = bnb_ref[0:1, :] - mean * a
    h1 = y_ref[...] * a + cshift
    f1 = lax.dot_general(h1, w1_ref[...], (((1,), (1,)), ((), ())),
                         preferred_element_type=jnp.float32)
    f1 = jnp.maximum(f1 + b1_ref[0:1, :], 0.0)
    z = h1 + lax.dot_general(f1, w2_ref[...], (((1,), (1,)), ((), ())),
                             preferred_element_type=jnp.float32)
    z = z + b2_ref[0:1, :]
    z_ref[...] = z
    st2_ref[0:1, :] += jnp.sum(z, axis=0, keepdims=True)
    st2_ref[1:2, :] += jnp.sum(z * z, axis=0, keepdims=True)


def _ffn(y, st, w1, b1_8, w2, b2_8, bnw8, bnb8):
    return pl.pallas_call(
        _ff_body,
        grid=(N // BLK,),
        in_specs=[
            pl.BlockSpec((BLK, D), lambda i: (i, 0)),
            pl.BlockSpec((8, 128), lambda i: (0, 0)),
            pl.BlockSpec((DFF, D), lambda i: (0, 0)),
            pl.BlockSpec((8, DFF), lambda i: (0, 0)),
            pl.BlockSpec((D, DFF), lambda i: (0, 0)),
            pl.BlockSpec((8, 128), lambda i: (0, 0)),
            pl.BlockSpec((8, 128), lambda i: (0, 0)),
            pl.BlockSpec((8, 128), lambda i: (0, 0)),
        ],
        out_specs=[
            pl.BlockSpec((BLK, D), lambda i: (i, 0)),
            pl.BlockSpec((8, 128), lambda i: (0, 0)),
        ],
        out_shape=[
            jax.ShapeDtypeStruct((N, D), jnp.float32),
            jax.ShapeDtypeStruct((8, 128), jnp.float32),
        ],
    )(y, st, w1, b1_8, w2, b2_8, bnw8, bnb8)


def _bn2_body(z_ref, st2_ref, bnw_ref, bnb_ref, o_ref):
    mean = st2_ref[0:1, :] / N
    var = st2_ref[1:2, :] / N - mean * mean
    a = bnw_ref[0:1, :] * lax.rsqrt(var + EPS)
    cshift = bnb_ref[0:1, :] - mean * a
    o_ref[...] = z_ref[...] * a + cshift


def _bn2(z, st2, bnw8, bnb8):
    return pl.pallas_call(
        _bn2_body,
        grid=(N // BLK,),
        in_specs=[
            pl.BlockSpec((BLK, D), lambda i: (i, 0)),
            pl.BlockSpec((8, 128), lambda i: (0, 0)),
            pl.BlockSpec((8, 128), lambda i: (0, 0)),
            pl.BlockSpec((8, 128), lambda i: (0, 0)),
        ],
        out_specs=pl.BlockSpec((BLK, D), lambda i: (i, 0)),
        out_shape=jax.ShapeDtypeStruct((N, D), jnp.float32),
    )(z, st2, bnw8, bnb8)


def kernel(x, edge_index, W_gcn, b_gcn, bn_w, bn_b, W1, b1, W2, b2):
    src = edge_index[0].astype(jnp.int32)
    dst = edge_index[1].astype(jnp.int32)
    pidx = jnp.arange(EP - E, dtype=jnp.int32) % 128
    srcp = jnp.concatenate([src, pidx]).reshape(NW * KB, EB)
    dstp = jnp.concatenate([dst, N + pidx]).reshape(NW * KB, EB)

    degp = _deg_kernel(dstp).reshape(2, NP, 1)
    h2, dinv = _prep(x, W_gcn, degp)
    parts = _edge_kernel(h2, srcp, dstp)

    bg8 = jnp.broadcast_to(b_gcn.reshape(1, D), (8, D))
    bnw8 = jnp.broadcast_to(bn_w.reshape(1, D), (8, D))
    bnb8 = jnp.broadcast_to(bn_b.reshape(1, D), (8, D))
    b1_8 = jnp.broadcast_to(b1.reshape(1, DFF), (8, DFF))
    b2_8 = jnp.broadcast_to(b2.reshape(1, D), (8, D))

    return _mega(x, parts, h2, dinv, bg8, W1, b1_8, W2, b2_8, bnw8, bnb8)

# --- scband reference (transcript-rebuilt; emitter-appended) ---
"""Pipeline reference for scband-gnnlayer-24335284699303 (READ-ONLY COPY).

The authoritative reference and input builder live on the scoring server;
editing this copy changes nothing except your own understanding.
"""

import jax, jax.numpy as jnp
import numpy as np

N_NODES = 10000
N_EDGES = 320000
D = 128
D_FF = 512


def setup_inputs(seed: int = 0) -> dict:
    key = jax.random.key(seed)
    ks = jax.random.split(key, 12)
    x = jax.random.normal(ks[0], (N_NODES, D), dtype=jnp.float32)
    edge_index = jax.random.randint(ks[1], (2, N_EDGES), 0, N_NODES, dtype=jnp.int64)
    # GCNConv params (PyG: glorot weight, zero bias)
    lim = float(np.sqrt(6.0 / (D + D)))
    W_gcn = jax.random.uniform(ks[2], (D, D), dtype=jnp.float32, minval=-lim, maxval=lim)
    b_gcn = jnp.zeros((D,), dtype=jnp.float32)
    # BatchNorm1d affine params
    bn_w = jnp.ones((D,), dtype=jnp.float32)
    bn_b = jnp.zeros((D,), dtype=jnp.float32)
    # FF: Linear(D, 512) -> ReLU -> Linear(512, D), torch default init
    k1 = 1.0 / np.sqrt(D)
    W1 = jax.random.uniform(ks[3], (D_FF, D), dtype=jnp.float32, minval=-k1, maxval=k1)
    b1 = jax.random.uniform(ks[4], (D_FF,), dtype=jnp.float32, minval=-k1, maxval=k1)
    k2 = 1.0 / np.sqrt(D_FF)
    W2 = jax.random.uniform(ks[5], (D, D_FF), dtype=jnp.float32, minval=-k2, maxval=k2)
    b2 = jax.random.uniform(ks[6], (D,), dtype=jnp.float32, minval=-k2, maxval=k2)
    return {"x": x, "edge_index": edge_index, "W_gcn": W_gcn, "b_gcn": b_gcn,
            "bn_w": bn_w, "bn_b": bn_b, "W1": W1, "b1": b1, "W2": W2, "b2": b2}


def _batchnorm(x, w, b, eps=1e-5):
    # torch BatchNorm1d in training mode: biased batch statistics
    mean = jnp.mean(x, axis=0)
    var = jnp.var(x, axis=0)
    return (x - mean) / jnp.sqrt(var + eps) * w + b


def _gcn_conv(x, edge_index, W, bias):
    # PyG GCNConv: add self-loops, symmetric normalization D^-1/2 (A+I) D^-1/2 X W + b
    n = x.shape[0]
    loops = jnp.arange(n, dtype=edge_index.dtype)
    src = jnp.concatenate([edge_index[0], loops])
    dst = jnp.concatenate([edge_index[1], loops])
    deg = jnp.zeros((n,), dtype=x.dtype).at[dst].add(1.0)
    dinv = jnp.where(deg > 0, 1.0 / jnp.sqrt(deg), 0.0)
    norm = dinv[src] * dinv[dst]
    h = x @ W
    msg = h[src] * norm[:, None]
    out = jnp.zeros((n, h.shape[1]), dtype=x.dtype).at[dst].add(msg)
    return out + bias


def reference(x, edge_index, W_gcn, b_gcn, bn_w, bn_b, W1, b1, W2, b2):
    x_gnn = _gcn_conv(x, edge_index, W_gcn, b_gcn)
    h = _batchnorm(x + x_gnn, bn_w, bn_b)
    ff = jnp.maximum(h @ W1.T + b1, 0.0) @ W2.T + b2
    out = _batchnorm(h + ff, bn_w, bn_b)
    return out

if __name__ == "__main__":
    import jax
    _d = setup_inputs()
    print(jax.jit(kernel)(*tuple(_d.values())))

</pallas_src>

<mosaic_0001>
#map = affine_map<(d0, d1) -> (0, 0)>
module attributes {stable_mosaic.version = 14 : i64} {
  func.func @_deg_kernel(%arg0: i32, %arg1: i32, %arg2: memref<2560x128xi32, #tpu.memory_space<hbm>>, %arg3: memref<2x10240xf32, #tpu.memory_space<hbm>>, %arg4: memref<80x128xi32, #tpu.memory_space<vmem>>, %arg5: memref<128xf32, #tpu.memory_space<vmem>>, %arg6: memref<640xf32, #tpu.memory_space<vmem>>, %arg7: memref<!tpu.dma_semaphore, #tpu.memory_space<semaphore_mem>>, %arg8: memref<10240xf32, #tpu.memory_space<vmem_shared>>) attributes {dimension_semantics = [#tpu.dimension_semantics<core_parallel>, #tpu.dimension_semantics<subcore_parallel>], iteration_bounds = array<i64: 2, 16>, scalar_prefetch = 0 : i64, scratch_operands = 5 : i64, tpu.core_type = #tpu.core_type<sc_vector_subcore>, window_params = [{transform_indices = #map}, {transform_indices = #map}]} {
    %mul3A = arith.constant 2 : i32
    %mul3A_0 = arith.muli %arg1, %mul3A : i32
    %add3A = arith.addi %mul3A_0, %arg0 : i32
    %scan3A = arith.constant 0 : i32
    %scan3A_1 = arith.constant 0 : i32
    %scan3A_2 = arith.constant 8 : i32
    %scan3A_3 = arith.addi %scan3A_1, %scan3A_2 : i32
    %scan3A_4 = arith.constant 1 : i32
    %scan3A_5 = scf.for %scan3A_30 = %scan3A_1 to %scan3A_3 step %scan3A_4 iter_args(%scan3A_31 = %scan3A) -> (i32)  : i32 {
      %broadcast_in_dim3A = arith.constant 1.000000e+00 : f32
      %broadcast_in_dim3A_32 = vector.broadcast %broadcast_in_dim3A : f32 to vector<16xf32>
      %mul3A_33 = arith.constant 16 : i32
      %mul3A_34 = arith.muli %scan3A_30, %mul3A_33 : i32
      %swap3A = arith.index_cast %mul3A_34 : i32 to index
      %swap3A_35 = tpu.vector_load %arg5[%swap3A] {strides = array<i32>} : memref<128xf32, #tpu.memory_space<vmem>>, vector<16xf32>,
      %swap3A_36 = vector.shape_cast %swap3A_35 : vector<16xf32> to vector<16xf32>
      %swap3A_37 = vector.shape_cast %broadcast_in_dim3A_32 : vector<16xf32> to vector<16xf32>
      tpu.vector_store %arg5[%swap3A], %swap3A_37 {strides = array<i32>} : memref<128xf32, #tpu.memory_space<vmem>>, vector<16xf32>,
      %scan3A_38 = arith.constant 0 : i32
      scf.yield %scan3A_38 : i32
    }
    %scan3A_6 = arith.constant 8 : i32
    %scan3A_7 = arith.constant 0 : i32
    %scan3A_8 = arith.constant 0 : i32
    %scan3A_9 = arith.constant 40 : i32
    %scan3A_10 = arith.addi %scan3A_8, %scan3A_9 : i32
    %scan3A_11 = arith.constant 1 : i32
    %scan3A_12 = scf.for %scan3A_30 = %scan3A_8 to %scan3A_10 step %scan3A_11 iter_args(%scan3A_31 = %scan3A_7) -> (i32)  : i32 {
      %broadcast_in_dim3A = arith.constant 0.000000e+00 : f32
      %broadcast_in_dim3A_32 = vector.broadcast %broadcast_in_dim3A : f32 to vector<16xf32>
      %mul3A_33 = arith.constant 16 : i32
      %mul3A_34 = arith.muli %scan3A_30, %mul3A_33 : i32
      %swap3A = arith.index_cast %mul3A_34 : i32 to index
      %swap3A_35 = tpu.vector_load %arg6[%swap3A] {strides = array<i32>} : memref<640xf32, #tpu.memory_space<vmem>>, vector<16xf32>,
      %swap3A_36 = vector.shape_cast %swap3A_35 : vector<16xf32> to vector<16xf32>
      %swap3A_37 = vector.shape_cast %broadcast_in_dim3A_32 : vector<16xf32> to vector<16xf32>
      tpu.vector_store %arg6[%swap3A], %swap3A_37 {strides = array<i32>} : memref<640xf32, #tpu.memory_space<vmem>>, vector<16xf32>,
      %scan3A_38 = arith.constant 0 : i32
      scf.yield %scan3A_38 : i32
    }
    %scan3A_13 = arith.constant 40 : i32
    %mul3A_14 = arith.constant 640 : i32
    %mul3A_15 = arith.muli %arg1, %mul3A_14 : i32
    "tpu.region"() ({
      %run_scoped3A = tpu.sem_alloc : memref<!tpu.dma_semaphore, #tpu.memory_space<semaphore_mem>>
      %dma_start3A = tpu.memref_slice %arg8[%mul3A_15] : memref<10240xf32, #tpu.memory_space<vmem_shared>> -> memref<640xf32, #tpu.memory_space<vmem_shared>>
      %dma_start3A_30 = tpu.memref_slice %arg8[%mul3A_15] : memref<10240xf32, #tpu.memory_space<vmem_shared>> -> memref<640xf32, #tpu.memory_space<vmem_shared>>
      tpu.enqueue_dma source(%arg6 : memref<640xf32, #tpu.memory_space<vmem>>) target(%dma_start3A_30 : memref<640xf32, #tpu.memory_space<vmem_shared>>) target_semaphore(%run_scoped3A : memref<!tpu.dma_semaphore, #tpu.memory_space<semaphore_mem>>)
      %dma_wait3A = tpu.memref_slice %arg8[%mul3A_15] : memref<10240xf32, #tpu.memory_space<vmem_shared>> -> memref<640xf32, #tpu.memory_space<vmem_shared>>
      %dma_wait3A_31 = tpu.memref_slice %arg8[%mul3A_15] : memref<10240xf32, #tpu.memory_space<vmem_shared>> -> memref<640xf32, #tpu.memory_space<vmem_shared>>
      tpu.wait_dma2 semaphore(%run_scoped3A : memref<!tpu.dma_semaphore, #tpu.memory_space<semaphore_mem>>) src(%arg6 : memref<640xf32, #tpu.memory_space<vmem>>) dst(%dma_wait3A_31 : memref<640xf32, #tpu.memory_space<vmem_shared>>)
      tpu.yield
    }) : () -> ()
    %barrier3A = arith.constant 0 : index
    tpu.barrier barrier_id(%barrier3A)
    %mul3A_16 = arith.constant 80 : i32
    %mul3A_17 = arith.muli %add3A, %mul3A_16 : i32
    "tpu.region"() ({
      %run_scoped3A = tpu.sem_alloc : memref<!tpu.dma_semaphore, #tpu.memory_space<semaphore_mem>>
      %dma_start3A = arith.constant 0 : i32
      %dma_start3A_30 = tpu.memref_slice %arg2[%mul3A_17, %dma_start3A] : memref<2560x128xi32, #tpu.memory_space<hbm>> -> memref<80x128xi32, #tpu.memory_space<hbm>>
      %dma_start3A_31 = arith.constant 0 : i32
      %dma_start3A_32 = tpu.memref_slice %arg2[%mul3A_17, %dma_start3A_31] : memref<2560x128xi32, #tpu.memory_space<hbm>> -> memref<80x128xi32, #tpu.memory_space<hbm>>
      tpu.enqueue_dma source(%dma_start3A_32 : memref<80x128xi32, #tpu.memory_space<hbm>>) target(%arg4 : memref<80x128xi32, #tpu.memory_space<vmem>>) target_semaphore(%run_scoped3A : memref<!tpu.dma_semaphore, #tpu.memory_space<semaphore_mem>>)
      %dma_wait3A = arith.constant 0 : i32
      %dma_wait3A_33 = tpu.memref_slice %arg2[%mul3A_17, %dma_wait3A] : memref<2560x128xi32, #tpu.memory_space<hbm>> -> memref<80x128xi32, #tpu.memory_space<hbm>>
      %dma_wait3A_34 = arith.constant 0 : i32
      %dma_wait3A_35 = tpu.memref_slice %arg2[%mul3A_17, %dma_wait3A_34] : memref<2560x128xi32, #tpu.memory_space<hbm>> -> memref<80x128xi32, #tpu.memory_space<hbm>>
      tpu.wait_dma2 semaphore(%run_scoped3A : memref<!tpu.dma_semaphore, #tpu.memory_space<semaphore_mem>>) src(%dma_wait3A_35 : memref<80x128xi32, #tpu.memory_space<hbm>>) dst(%arg4 : memref<80x128xi32, #tpu.memory_space<vmem>>)
      tpu.yield
    }) : () -> ()
    %scan3A_18 = arith.constant 0 : i32
    %scan3A_19 = arith.constant 0 : i32
    %scan3A_20 = arith.constant 5 : i32
    %scan3A_21 = arith.addi %scan3A_19, %scan3A_20 : i32
    %scan3A_22 = arith.constant 1 : i32
    %scan3A_23 = scf.for %scan3A_30 = %scan3A_19 to %scan3A_21 step %scan3A_22 iter_args(%scan3A_31 = %scan3A_18) -> (i32)  : i32 {
      %mul3A_32 = arith.constant 16 : i32
      %mul3A_33 = arith.muli %scan3A_30, %mul3A_32 : i32
      %add3A_34 = arith.constant 0 : i32
      %add3A_35 = arith.addi %mul3A_33, %add3A_34 : i32
      %dma_start3A = arith.constant 0 : i32
      %dma_start3A_36 = tpu.memref_slice %arg4[%add3A_35, %dma_start3A] : memref<80x128xi32, #tpu.memory_space<vmem>> -> memref<1x128xi32, #tpu.memory_space<vmem>>
      %dma_start3A_37 = tpu.memref_squeeze %dma_start3A_36 : memref<1x128xi32, #tpu.memory_space<vmem>> -> memref<128xi32, #tpu.memory_space<vmem>>
      %dma_start3A_38 = arith.constant 0 : i32
      %dma_start3A_39 = tpu.memref_slice %arg8[%dma_start3A_38] : memref<10240xf32, #tpu.memory_space<vmem_shared>> -> memref<10240xf32, #tpu.memory_space<vmem_shared>>
      tpu.enqueue_indirect_dma source(%arg5 : memref<128xf32, #tpu.memory_space<vmem>>) target(%dma_start3A_39 : memref<10240xf32, #tpu.memory_space<vmem_shared>>) offsets(%dma_start3A_37 : memref<128xi32, #tpu.memory_space<vmem>>) semaphore(%arg7 : memref<!tpu.dma_semaphore, #tpu.memory_space<semaphore_mem>>) {add = true}
      %mul3A_40 = arith.constant 16 : i32
      %mul3A_41 = arith.muli %scan3A_30, %mul3A_40 : i32
      %add3A_42 = arith.constant 1 : i32
      %add3A_43 = arith.addi %mul3A_41, %add3A_42 : i32
      %dma_start3A_44 = arith.constant 0 : i32
      %dma_start3A_45 = tpu.memref_slice %arg4[%add3A_43, %dma_start3A_44] : memref<80x128xi32, #tpu.memory_space<vmem>> -> memref<1x128xi32, #tpu.memory_space<vmem>>
      %dma_start3A_46 = tpu.memref_squeeze %dma_start3A_45 : memref<1x128xi32, #tpu.memory_space<vmem>> -> memref<128xi32, #tpu.memory_space<vmem>>
      %dma_start3A_47 = arith.constant 0 : i32
      %dma_start3A_48 = tpu.memref_slice %arg8[%dma_start3A_47] : memref<10240xf32, #tpu.memory_space<vmem_shared>> -> memref<10240xf32, #tpu.memory_space<vmem_shared>>
      tpu.enqueue_indirect_dma source(%arg5 : memref<128xf32, #tpu.memory_space<vmem>>) target(%dma_start3A_48 : memref<10240xf32, #tpu.memory_space<vmem_shared>>) offsets(%dma_start3A_46 : memref<128xi32, #tpu.memory_space<vmem>>) semaphore(%arg7 : memref<!tpu.dma_semaphore, #tpu.memory_space<semaphore_mem>>) {add = true}
      %mul3A_49 = arith.constant 16 : i32
      %mul3A_50 = arith.muli %scan3A_30, %mul3A_49 : i32
      %add3A_51 = arith.constant 2 : i32
      %add3A_52 = arith.addi %mul3A_50, %add3A_51 : i32
      %dma_start3A_53 = arith.constant 0 : i32
      %dma_start3A_54 = tpu.memref_slice %arg4[%add3A_52, %dma_start3A_53] : memref<80x128xi32, #tpu.memory_space<vmem>> -> memref<1x128xi32, #tpu.memory_space<vmem>>
      %dma_start3A_55 = tpu.memref_squeeze %dma_start3A_54 : memref<1x128xi32, #tpu.memory_space<vmem>> -> memref<128xi32, #tpu.memory_space<vmem>>
      %dma_start3A_56 = arith.constant 0 : i32
      %dma_start3A_57 = tpu.memref_slice %arg8[%dma_start3A_56] : memref<10240xf32, #tpu.memory_space<vmem_shared>> -> memref<10240xf32, #tpu.memory_space<vmem_shared>>
      tpu.enqueue_indirect_dma source(%arg5 : memref<128xf32, #tpu.memory_space<vmem>>) target(%dma_start3A_57 : memref<10240xf32, #tpu.memory_space<vmem_shared>>) offsets(%dma_start3A_55 : memref<128xi32, #tpu.memory_space<vmem>>) semaphore(%arg7 : memref<!tpu.dma_semaphore, #tpu.memory_space<semaphore_mem>>) {add = true}
      %mul3A_58 = arith.constant 16 : i32
      %mul3A_59 = arith.muli %scan3A_30, %mul3A_58 : i32
      %add3A_60 = arith.constant 3 : i32
      %add3A_61 = arith.addi %mul3A_59, %add3A_60 : i32
      %dma_start3A_62 = arith.constant 0 : i32
      %dma_start3A_63 = tpu.memref_slice %arg4[%add3A_61, %dma_start3A_62] : memref<80x128xi32, #tpu.memory_space<vmem>> -> memref<1x128xi32, #tpu.memory_space<vmem>>
      %dma_start3A_64 = tpu.memref_squeeze %dma_start3A_63 : memref<1x128xi32, #tpu.memory_space<vmem>> -> memref<128xi32, #tpu.memory_space<vmem>>
      %dma_start3A_65 = arith.constant 0 : i32
      %dma_start3A_66 = tpu.memref_slice %arg8[%dma_start3A_65] : memref<10240xf32, #tpu.memory_space<vmem_shared>> -> memref<10240xf32, #tpu.memory_space<vmem_shared>>
      tpu.enqueue_indirect_dma source(%arg5 : memref<128xf32, #tpu.memory_space<vmem>>) target(%dma_start3A_66 : memref<10240xf32, #tpu.memory_space<vmem_shared>>) offsets(%dma_start3A_64 : memref<128xi32, #tpu.memory_space<vmem>>) semaphore(%arg7 : memref<!tpu.dma_semaphore, #tpu.memory_space<semaphore_mem>>) {add = true}
      %mul3A_67 = arith.constant 16 : i32
      %mul3A_68 = arith.muli %scan3A_30, %mul3A_67 : i32
      %add3A_69 = arith.constant 4 : i32
      %add3A_70 = arith.addi %mul3A_68, %add3A_69 : i32
      %dma_start3A_71 = arith.constant 0 : i32
      %dma_start3A_72 = tpu.memref_slice %arg4[%add3A_70, %dma_start3A_71] : memref<80x128xi32, #tpu.memory_space<vmem>> -> memref<1x128xi32, #tpu.memory_space<vmem>>
      %dma_start3A_73 = tpu.memref_squeeze %dma_start3A_72 : memref<1x128xi32, #tpu.memory_space<vmem>> -> memref<128xi32, #tpu.memory_space<vmem>>
      %dma_start3A_74 = arith.constant 0 : i32
      %dma_start3A_75 = tpu.memref_slice %arg8[%dma_start3A_74] : memref<10240xf32, #tpu.memory_space<vmem_shared>> -> memref<10240xf32, #tpu.memory_space<vmem_shared>>
      tpu.enqueue_indirect_dma source(%arg5 : memref<128xf32, #tpu.memory_space<vmem>>) target(%dma_start3A_75 : memref<10240xf32, #tpu.memory_space<vmem_shared>>) offsets(%dma_start3A_73 : memref<128xi32, #tpu.memory_space<vmem>>) semaphore(%arg7 : memref<!tpu.dma_semaphore, #tpu.memory_space<semaphore_mem>>) {add = true}
      %mul3A_76 = arith.constant 16 : i32
      %mul3A_77 = arith.muli %scan3A_30, %mul3A_76 : i32
      %add3A_78 = arith.constant 5 : i32
      %add3A_79 = arith.addi %mul3A_77, %add3A_78 : i32
      %dma_start3A_80 = arith.constant 0 : i32
      %dma_start3A_81 = tpu.memref_slice %arg4[%add3A_79, %dma_start3A_80] : memref<80x128xi32, #tpu.memory_space<vmem>> -> memref<1x128xi32, #tpu.memory_space<vmem>>
      %dma_start3A_82 = tpu.memref_squeeze %dma_start3A_81 : memref<1x128xi32, #tpu.memory_space<vmem>> -> memref<128xi32, #tpu.memory_space<vmem>>
      %dma_start3A_83 = arith.constant 0 : i32
      %dma_start3A_84 = tpu.memref_slice %arg8[%dma_start3A_83] : memref<10240xf32, #tpu.memory_space<vmem_shared>> -> memref<10240xf32, #tpu.memory_space<vmem_shared>>
      tpu.enqueue_indirect_dma source(%arg5 : memref<128xf32, #tpu.memory_space<vmem>>) target(%dma_start3A_84 : memref<10240xf32, #tpu.memory_space<vmem_shared>>) offsets(%dma_start3A_82 : memref<128xi32, #tpu.memory_space<vmem>>) semaphore(%arg7 : memref<!tpu.dma_semaphore, #tpu.memory_space<semaphore_mem>>) {add = true}
      %mul3A_85 = arith.constant 16 : i32
      %mul3A_86 = arith.muli %scan3A_30, %mul3A_85 : i32
      %add3A_87 = arith.constant 6 : i32
      %add3A_88 = arith.addi %mul3A_86, %add3A_87 : i32
      %dma_start3A_89 = arith.constant 0 : i32
      %dma_start3A_90 = tpu.memref_slice %arg4[%add3A_88, %dma_start3A_89] : memref<80x128xi32, #tpu.memory_space<vmem>> -> memref<1x128xi32, #tpu.memory_space<vmem>>
      %dma_start3A_91 = tpu.memref_squeeze %dma_start3A_90 : memref<1x128xi32, #tpu.memory_space<vmem>> -> memref<128xi32, #tpu.memory_space<vmem>>
      %dma_start3A_92 = arith.constant 0 : i32
      %dma_start3A_93 = tpu.memref_slice %arg8[%dma_start3A_92] : memref<10240xf32, #tpu.memory_space<vmem_shared>> -> memref<10240xf32, #tpu.memory_space<vmem_shared>>
      tpu.enqueue_indirect_dma source(%arg5 : memref<128xf32, #tpu.memory_space<vmem>>) target(%dma_start3A_93 : memref<10240xf32, #tpu.memory_space<vmem_shared>>) offsets(%dma_start3A_91 : memref<128xi32, #tpu.memory_space<vmem>>) semaphore(%arg7 : memref<!tpu.dma_semaphore, #tpu.memory_space<semaphore_mem>>) {add = true}
      %mul3A_94 = arith.constant 16 : i32
      %mul3A_95 = arith.muli %scan3A_30, %mul3A_94 : i32
      %add3A_96 = arith.constant 7 : i32
      %add3A_97 = arith.addi %mul3A_95, %add3A_96 : i32
      %dma_start3A_98 = arith.constant 0 : i32
      %dma_start3A_99 = tpu.memref_slice %arg4[%add3A_97, %dma_start3A_98] : memref<80x128xi32, #tpu.memory_space<vmem>> -> memref<1x128xi32, #tpu.memory_space<vmem>>
      %dma_start3A_100 = tpu.memref_squeeze %dma_start3A_99 : memref<1x128xi32, #tpu.memory_space<vmem>> -> memref<128xi32, #tpu.memory_space<vmem>>
      %dma_start3A_101 = arith.constant 0 : i32
      %dma_start3A_102 = tpu.memref_slice %arg8[%dma_start3A_101] : memref<10240xf32, #tpu.memory_space<vmem_shared>> -> memref<10240xf32, #tpu.memory_space<vmem_shared>>
      tpu.enqueue_indirect_dma source(%arg5 : memref<128xf32, #tpu.memory_space<vmem>>) target(%dma_start3A_102 : memref<10240xf32, #tpu.memory_space<vmem_shared>>) offsets(%dma_start3A_100 : memref<128xi32, #tpu.memory_space<vmem>>) semaphore(%arg7 : memref<!tpu.dma_semaphore, #tpu.memory_space<semaphore_mem>>) {add = true}
      %mul3A_103 = arith.constant 16 : i32
      %mul3A_104 = arith.muli %scan3A_30, %mul3A_103 : i32
      %add3A_105 = arith.constant 8 : i32
      %add3A_106 = arith.addi %mul3A_104, %add3A_105 : i32
      %dma_start3A_107 = arith.constant 0 : i32
      %dma_start3A_108 = tpu.memref_slice %arg4[%add3A_106, %dma_start3A_107] : memref<80x128xi32, #tpu.memory_space<vmem>> -> memref<1x128xi32, #tpu.memory_space<vmem>>
      %dma_start3A_109 = tpu.memref_squeeze %dma_start3A_108 : memref<1x128xi32, #tpu.memory_space<vmem>> -> memref<128xi32, #tpu.memory_space<vmem>>
      %dma_start3A_110 = arith.constant 0 : i32
      %dma_start3A_111 = tpu.memref_slice %arg8[%dma_start3A_110] : memref<10240xf32, #tpu.memory_space<vmem_shared>> -> memref<10240xf32, #tpu.memory_space<vmem_shared>>
      tpu.enqueue_indirect_dma source(%arg5 : memref<128xf32, #tpu.memory_space<vmem>>) target(%dma_start3A_111 : memref<10240xf32, #tpu.memory_space<vmem_shared>>) offsets(%dma_start3A_109 : memref<128xi32, #tpu.memory_space<vmem>>) semaphore(%arg7 : memref<!tpu.dma_semaphore, #tpu.memory_space<semaphore_mem>>) {add = true}
      %mul3A_112 = arith.constant 16 : i32
      %mul3A_113 = arith.muli %scan3A_30, %mul3A_112 : i32
      %add3A_114 = arith.constant 9 : i32
      %add3A_115 = arith.addi %mul3A_113, %add3A_114 : i32
      %dma_start3A_116 = arith.constant 0 : i32
      %dma_start3A_117 = tpu.memref_slice %arg4[%add3A_115, %dma_start3A_116] : memref<80x128xi32, #tpu.memory_space<vmem>> -> memref<1x128xi32, #tpu.memory_space<vmem>>
      %dma_start3A_118 = tpu.memref_squeeze %dma_start3A_117 : memref<1x128xi32, #tpu.memory_space<vmem>> -> memref<128xi32, #tpu.memory_space<vmem>>
      %dma_start3A_119 = arith.constant 0 : i32
      %dma_start3A_120 = tpu.memref_slice %arg8[%dma_start3A_119] : memref<10240xf32, #tpu.memory_space<vmem_shared>> -> memref<10240xf32, #tpu.memory_space<vmem_shared>>
      tpu.enqueue_indirect_dma source(%arg5 : memref<128xf32, #tpu.memory_space<vmem>>) target(%dma_start3A_120 : memref<10240xf32, #tpu.memory_space<vmem_shared>>) offsets(%dma_start3A_118 : memref<128xi32, #tpu.memory_space<vmem>>) semaphore(%arg7 : memref<!tpu.dma_semaphore, #tpu.memory_space<semaphore_mem>>) {add = true}
      %mul3A_121 = arith.constant 16 : i32
      %mul3A_122 = arith.muli %scan3A_30, %mul3A_121 : i32
      %add3A_123 = arith.constant 10 : i32
      %add3A_124 = arith.addi %mul3A_122, %add3A_123 : i32
      %dma_start3A_125 = arith.constant 0 : i32
      %dma_start3A_126 = tpu.memref_slice %arg4[%add3A_124, %dma_start3A_125] : memref<80x128xi32, #tpu.memory_space<vmem>> -> memref<1x128xi32, #tpu.memory_space<vmem>>
      %dma_start3A_127 = tpu.memref_squeeze %dma_start3A_126 : memref<1x128xi32, #tpu.memory_space<vmem>> -> memref<128xi32, #tpu.memory_space<vmem>>
      %dma_start3A_128 = arith.constant 0 : i32
      %dma_start3A_129 = tpu.memref_slice %arg8[%dma_start3A_128] : memref<10240xf32, #tpu.memory_space<vmem_shared>> -> memref<10240xf32, #tpu.memory_space<vmem_shared>>
      tpu.enqueue_indirect_dma source(%arg5 : memref<128xf32, #tpu.memory_space<vmem>>) target(%dma_start3A_129 : memref<10240xf32, #tpu.memory_space<vmem_shared>>) offsets(%dma_start3A_127 : memref<128xi32, #tpu.memory_space<vmem>>) semaphore(%arg7 : memref<!tpu.dma_semaphore, #tpu.memory_space<semaphore_mem>>) {add = true}
      %mul3A_130 = arith.constant 16 : i32
      %mul3A_131 = arith.muli %scan3A_30, %mul3A_130 : i32
      %add3A_132 = arith.constant 11 : i32
      %add3A_133 = arith.addi %mul3A_131, %add3A_132 : i32
      %dma_start3A_134 = arith.constant 0 : i32
      %dma_start3A_135 = tpu.memref_slice %arg4[%add3A_133, %dma_start3A_134] : memref<80x128xi32, #tpu.memory_space<vmem>> -> memref<1x128xi32, #tpu.memory_space<vmem>>
      %dma_start3A_136 = tpu.memref_squeeze %dma_start3A_135 : memref<1x128xi32, #tpu.memory_space<vmem>> -> memref<128xi32, #tpu.memory_space<vmem>>
      %dma_start3A_137 = arith.constant 0 : i32
      %dma_start3A_138 = tpu.memref_slice %arg8[%dma_start3A_137] : memref<10240xf32, #tpu.memory_space<vmem_shared>> -> memref<10240xf32, #tpu.memory_space<vmem_shared>>
      tpu.enqueue_indirect_dma source(%arg5 : memref<128xf32, #tpu.memory_space<vmem>>) target(%dma_start3A_138 : memref<10240xf32, #tpu.memory_space<vmem_shared>>) offsets(%dma_start3A_136 : memref<128xi32, #tpu.memory_space<vmem>>) semaphore(%arg7 : memref<!tpu.dma_semaphore, #tpu.memory_space<semaphore_mem>>) {add = true}
      %mul3A_139 = arith.constant 16 : i32
      %mul3A_140 = arith.muli %scan3A_30, %mul3A_139 : i32
      %add3A_141 = arith.constant 12 : i32
      %add3A_142 = arith.addi %mul3A_140, %add3A_141 : i32
      %dma_start3A_143 = arith.constant 0 : i32
      %dma_start3A_144 = tpu.memref_slice %arg4[%add3A_142, %dma_start3A_143] : memref<80x128xi32, #tpu.memory_space<vmem>> -> memref<1x128xi32, #tpu.memory_space<vmem>>
      %dma_start3A_145 = tpu.memref_squeeze %dma_start3A_144 : memref<1x128xi32, #tpu.memory_space<vmem>> -> memref<128xi32, #tpu.memory_space<vmem>>
      %dma_start3A_146 = arith.constant 0 : i32
      %dma_start3A_147 = tpu.memref_slice %arg8[%dma_start3A_146] : memref<10240xf32, #tpu.memory_space<vmem_shared>> -> memref<10240xf32, #tpu.memory_space<vmem_shared>>
      tpu.enqueue_indirect_dma source(%arg5 : memref<128xf32, #tpu.memory_space<vmem>>) target(%dma_start3A_147 : memref<10240xf32, #tpu.memory_space<vmem_shared>>) offsets(%dma_start3A_145 : memref<128xi32, #tpu.memory_space<vmem>>) semaphore(%arg7 : memref<!tpu.dma_semaphore, #tpu.memory_space<semaphore_mem>>) {add = true}
      %mul3A_148 = arith.constant 16 : i32
      %mul3A_149 = arith.muli %scan3A_30, %mul3A_148 : i32
      %add3A_150 = arith.constant 13 : i32
      %add3A_151 = arith.addi %mul3A_149, %add3A_150 : i32
      %dma_start3A_152 = arith.constant 0 : i32
      %dma_start3A_153 = tpu.memref_slice %arg4[%add3A_151, %dma_start3A_152] : memref<80x128xi32, #tpu.memory_space<vmem>> -> memref<1x128xi32, #tpu.memory_space<vmem>>
      %dma_start3A_154 = tpu.memref_squeeze %dma_start3A_153 : memref<1x128xi32, #tpu.memory_space<vmem>> -> memref<128xi32, #tpu.memory_space<vmem>>
      %dma_start3A_155 = arith.constant 0 : i32
      %dma_start3A_156 = tpu.memref_slice %arg8[%dma_start3A_155] : memref<10240xf32, #tpu.memory_space<vmem_shared>> -> memref<10240xf32, #tpu.memory_space<vmem_shared>>
      tpu.enqueue_indirect_dma source(%arg5 : memref<128xf32, #tpu.memory_space<vmem>>) target(%dma_start3A_156 : memref<10240xf32, #tpu.memory_space<vmem_shared>>) offsets(%dma_start3A_154 : memref<128xi32, #tpu.memory_space<vmem>>) semaphore(%arg7 : memref<!tpu.dma_semaphore, #tpu.memory_space<semaphore_mem>>) {add = true}
      %mul3A_157 = arith.constant 16 : i32
      %mul3A_158 = arith.muli %scan3A_30, %mul3A_157 : i32
      %add3A_159 = arith.constant 14 : i32
      %add3A_160 = arith.addi %mul3A_158, %add3A_159 : i32
      %dma_start3A_161 = arith.constant 0 : i32
      %dma_start3A_162 = tpu.memref_slice %arg4[%add3A_160, %dma_start3A_161] : memref<80x128xi32, #tpu.memory_space<vmem>> -> memref<1x128xi32, #tpu.memory_space<vmem>>
      %dma_start3A_163 = tpu.memref_squeeze %dma_start3A_162 : memref<1x128xi32, #tpu.memory_space<vmem>> -> memref<128xi32, #tpu.memory_space<vmem>>
      %dma_start3A_164 = arith.constant 0 : i32
      %dma_start3A_165 = tpu.memref_slice %arg8[%dma_start3A_164] : memref<10240xf32, #tpu.memory_space<vmem_shared>> -> memref<10240xf32, #tpu.memory_space<vmem_shared>>
      tpu.enqueue_indirect_dma source(%arg5 : memref<128xf32, #tpu.memory_space<vmem>>) target(%dma_start3A_165 : memref<10240xf32, #tpu.memory_space<vmem_shared>>) offsets(%dma_start3A_163 : memref<128xi32, #tpu.memory_space<vmem>>) semaphore(%arg7 : memref<!tpu.dma_semaphore, #tpu.memory_space<semaphore_mem>>) {add = true}
      %mul3A_166 = arith.constant 16 : i32
      %mul3A_167 = arith.muli %scan3A_30, %mul3A_166 : i32
      %add3A_168 = arith.constant 15 : i32
      %add3A_169 = arith.addi %mul3A_167, %add3A_168 : i32
      %dma_start3A_170 = arith.constant 0 : i32
      %dma_start3A_171 = tpu.memref_slice %arg4[%add3A_169, %dma_start3A_170] : memref<80x128xi32, #tpu.memory_space<vmem>> -> memref<1x128xi32, #tpu.memory_space<vmem>>
      %dma_start3A_172 = tpu.memref_squeeze %dma_start3A_171 : memref<1x128xi32, #tpu.memory_space<vmem>> -> memref<128xi32, #tpu.memory_space<vmem>>
      %dma_start3A_173 = arith.constant 0 : i32
      %dma_start3A_174 = tpu.memref_slice %arg8[%dma_start3A_173] : memref<10240xf32, #tpu.memory_space<vmem_shared>> -> memref<10240xf32, #tpu.memory_space<vmem_shared>>
      tpu.enqueue_indirect_dma source(%arg5 : memref<128xf32, #tpu.memory_space<vmem>>) target(%dma_start3A_174 : memref<10240xf32, #tpu.memory_space<vmem_shared>>) offsets(%dma_start3A_172 : memref<128xi32, #tpu.memory_space<vmem>>) semaphore(%arg7 : memref<!tpu.dma_semaphore, #tpu.memory_space<semaphore_mem>>) {add = true}
      %dma_wait3A = arith.constant 0 : i32
      %dma_wait3A_175 = arith.constant 0 : i32
      %dma_wait3A_176 = tpu.memref_slice %arg4[%dma_wait3A, %dma_wait3A_175] : memref<80x128xi32, #tpu.memory_space<vmem>> -> memref<1x128xi32, #tpu.memory_space<vmem>>
      %dma_wait3A_177 = tpu.memref_squeeze %dma_wait3A_176 : memref<1x128xi32, #tpu.memory_space<vmem>> -> memref<128xi32, #tpu.memory_space<vmem>>
      %dma_wait3A_178 = arith.constant 0 : i32
      %dma_wait3A_179 = tpu.memref_slice %arg8[%dma_wait3A_178] : memref<10240xf32, #tpu.memory_space<vmem_shared>> -> memref<10240xf32, #tpu.memory_space<vmem_shared>>
      tpu.wait_indirect_dma semaphore(%arg7 : memref<!tpu.dma_semaphore, #tpu.memory_space<semaphore_mem>>) src(%arg5 : memref<128xf32, #tpu.memory_space<vmem>>) dst(%dma_wait3A_179 : memref<10240xf32, #tpu.memory_space<vmem_shared>>)
      %dma_wait3A_180 = arith.constant 0 : i32
      %dma_wait3A_181 = arith.constant 0 : i32
      %dma_wait3A_182 = tpu.memref_slice %arg4[%dma_wait3A_180, %dma_wait3A_181] : memref<80x128xi32, #tpu.memory_space<vmem>> -> memref<1x128xi32, #tpu.memory_space<vmem>>
      %dma_wait3A_183 = tpu.memref_squeeze %dma_wait3A_182 : memref<1x128xi32, #tpu.memory_space<vmem>> -> memref<128xi32, #tpu.memory_space<vmem>>
      %dma_wait3A_184 = arith.constant 0 : i32
      %dma_wait3A_185 = tpu.memref_slice %arg8[%dma_wait3A_184] : memref<10240xf32, #tpu.memory_space<vmem_shared>> -> memref<10240xf32, #tpu.memory_space<vmem_shared>>
      tpu.wait_indirect_dma semaphore(%arg7 : memref<!tpu.dma_semaphore, #tpu.memory_space<semaphore_mem>>) src(%arg5 : memref<128xf32, #tpu.memory_space<vmem>>) dst(%dma_wait3A_185 : memref<10240xf32, #tpu.memory_space<vmem_shared>>)
      %dma_wait3A_186 = arith.constant 0 : i32
      %dma_wait3A_187 = arith.constant 0 : i32
      %dma_wait3A_188 = tpu.memref_slice %arg4[%dma_wait3A_186, %dma_wait3A_187] : memref<80x128xi32, #tpu.memory_space<vmem>> -> memref<1x128xi32, #tpu.memory_space<vmem>>
      %dma_wait3A_189 = tpu.memref_squeeze %dma_wait3A_188 : memref<1x128xi32, #tpu.memory_space<vmem>> -> memref<128xi32, #tpu.memory_space<vmem>>
      %dma_wait3A_190 = arith.constant 0 : i32
      %dma_wait3A_191 = tpu.memref_slice %arg8[%dma_wait3A_190] : memref<10240xf32, #tpu.memory_space<vmem_shared>> -> memref<10240xf32, #tpu.memory_space<vmem_shared>>
      tpu.wait_indirect_dma semaphore(%arg7 : memref<!tpu.dma_semaphore, #tpu.memory_space<semaphore_mem>>) src(%arg5 : memref<128xf32, #tpu.memory_space<vmem>>) dst(%dma_wait3A_191 : memref<10240xf32, #tpu.memory_space<vmem_shared>>)
      %dma_wait3A_192 = arith.constant 0 : i32
      %dma_wait3A_193 = arith.constant 0 : i32
      %dma_wait3A_194 = tpu.memref_slice %arg4[%dma_wait3A_192, %dma_wait3A_193] : memref<80x128xi32, #tpu.memory_space<vmem>> -> memref<1x128xi32, #tpu.memory_space<vmem>>
      %dma_wait3A_195 = tpu.memref_squeeze %dma_wait3A_194 : memref<1x128xi32, #tpu.memory_space<vmem>> -> memref<128xi32, #tpu.memory_space<vmem>>
      %dma_wait3A_196 = arith.constant 0 : i32
      %dma_wait3A_197 = tpu.memref_slice %arg8[%dma_wait3A_196] : memref<10240xf32, #tpu.memory_space<vmem_shared>> -> memref<10240xf32, #tpu.memory_space<vmem_shared>>
      tpu.wait_indirect_dma semaphore(%arg7 : memref<!tpu.dma_semaphore, #tpu.memory_space<semaphore_mem>>) src(%arg5 : memref<128xf32, #tpu.memory_space<vmem>>) dst(%dma_wait3A_197 : memref<10240xf32, #tpu.memory_space<vmem_shared>>)
      %dma_wait3A_198 = arith.constant 0 : i32
      %dma_wait3A_199 = arith.constant 0 : i32
      %dma_wait3A_200 = tpu.memref_slice %arg4[%dma_wait3A_198, %dma_wait3A_199] : memref<80x128xi32, #tpu.memory_space<vmem>> -> memref<1x128xi32, #tpu.memory_space<vmem>>
      %dma_wait3A_201 = tpu.memref_squeeze %dma_wait3A_200 : memref<1x128xi32, #tpu.memory_space<vmem>> -> memref<128xi32, #tpu.memory_space<vmem>>
      %dma_wait3A_202 = arith.constant 0 : i32
      %dma_wait3A_203 = tpu.memref_slice %arg8[%dma_wait3A_202] : memref<10240xf32, #tpu.memory_space<vmem_shared>> -> memref<10240xf32, #tpu.memory_space<vmem_shared>>
      tpu.wait_indirect_dma semaphore(%arg7 : memref<!tpu.dma_semaphore, #tpu.memory_space<semaphore_mem>>) src(%arg5 : memref<128xf32, #tpu.memory_space<vmem>>) dst(%dma_wait3A_203 : memref<10240xf32, #tpu.memory_space<vmem_shared>>)
      %dma_wait3A_204 = arith.constant 0 : i32
      %dma_wait3A_205 = arith.constant 0 : i32
      %dma_wait3A_206 = tpu.memref_slice %arg4[%dma_wait3A_204, %dma_wait3A_205] : memref<80x128xi32, #tpu.memory_space<vmem>> -> memref<1x128xi32, #tpu.memory_space<vmem>>
      %dma_wait3A_207 = tpu.memref_squeeze %dma_wait3A_206 : memref<1x128xi32, #tpu.memory_space<vmem>> -> memref<128xi32, #tpu.memory_space<vmem>>
      %dma_wait3A_208 = arith.constant 0 : i32
      %dma_wait3A_209 = tpu.memref_slice %arg8[%dma_wait3A_208] : memref<10240xf32, #tpu.memory_space<vmem_shared>> -> memref<10240xf32, #tpu.memory_space<vmem_shared>>
      tpu.wait_indirect_dma semaphore(%arg7 : memref<!tpu.dma_semaphore, #tpu.memory_space<semaphore_mem>>) src(%arg5 : memref<128xf32, #tpu.memory_space<vmem>>) dst(%dma_wait3A_209 : memref<10240xf32, #tpu.memory_space<vmem_shared>>)
      %dma_wait3A_210 = arith.constant 0 : i32
      %dma_wait3A_211 = arith.constant 0 : i32
      %dma_wait3A_212 = tpu.memref_slice %arg4[%dma_wait3A_210, %dma_wait3A_211] : memref<80x128xi32, #tpu.memory_space<vmem>> -> memref<1x128xi32, #tpu.memory_space<vmem>>
      %dma_wait3A_213 = tpu.memref_squeeze %dma_wait3A_212 : memref<1x128xi32, #tpu.memory_space<vmem>> -> memref<128xi32, #tpu.memory_space<vmem>>
      %dma_wait3A_214 = arith.constant 0 : i32
      %dma_wait3A_215 = tpu.memref_slice %arg8[%dma_wait3A_214] : memref<10240xf32, #tpu.memory_space<vmem_shared>> -> memref<10240xf32, #tpu.memory_space<vmem_shared>>
      tpu.wait_indirect_dma semaphore(%arg7 : memref<!tpu.dma_semaphore, #tpu.memory_space<semaphore_mem>>) src(%arg5 : memref<128xf32, #tpu.memory_space<vmem>>) dst(%dma_wait3A_215 : memref<10240xf32, #tpu.memory_space<vmem_shared>>)
      %dma_wait3A_216 = arith.constant 0 : i32
      %dma_wait3A_217 = arith.constant 0 : i32
      %dma_wait3A_218 = tpu.memref_slice %arg4[%dma_wait3A_216, %dma_wait3A_217] : memref<80x128xi32, #tpu.memory_space<vmem>> -> memref<1x128xi32, #tpu.memory_space<vmem>>
      %dma_wait3A_219 = tpu.memref_squeeze %dma_wait3A_218 : memref<1x128xi32, #tpu.memory_space<vmem>> -> memref<128xi32, #tpu.memory_space<vmem>>
      %dma_wait3A_220 = arith.constant 0 : i32
      %dma_wait3A_221 = tpu.memref_slice %arg8[%dma_wait3A_220] : memref<10240xf32, #tpu.memory_space<vmem_shared>> -> memref<10240xf32, #tpu.memory_space<vmem_shared>>
      tpu.wait_indirect_dma semaphore(%arg7 : memref<!tpu.dma_semaphore, #tpu.memory_space<semaphore_mem>>) src(%arg5 : memref<128xf32, #tpu.memory_space<vmem>>) dst(%dma_wait3A_221 : memref<10240xf32, #tpu.memory_space<vmem_shared>>)
      %dma_wait3A_222 = arith.constant 0 : i32
      %dma_wait3A_223 = arith.constant 0 : i32
      %dma_wait3A_224 = tpu.memref_slice %arg4[%dma_wait3A_222, %dma_wait3A_223] : memref<80x128xi32, #tpu.memory_space<vmem>> -> memref<1x128xi32, #tpu.memory_space<vmem>>
      %dma_wait3A_225 = tpu.memref_squeeze %dma_wait3A_224 : memref<1x128xi32, #tpu.memory_space<vmem>> -> memref<128xi32, #tpu.memory_space<vmem>>
      %dma_wait3A_226 = arith.constant 0 : i32
      %dma_wait3A_227 = tpu.memref_slice %arg8[%dma_wait3A_226] : memref<10240xf32, #tpu.memory_space<vmem_shared>> -> memref<10240xf32, #tpu.memory_space<vmem_shared>>
      tpu.wait_indirect_dma semaphore(%arg7 : memref<!tpu.dma_semaphore, #tpu.memory_space<semaphore_mem>>) src(%arg5 : memref<128xf32, #tpu.memory_space<vmem>>) dst(%dma_wait3A_227 : memref<10240xf32, #tpu.memory_space<vmem_shared>>)
      %dma_wait3A_228 = arith.constant 0 : i32
      %dma_wait3A_229 = arith.constant 0 : i32
      %dma_wait3A_230 = tpu.memref_slice %arg4[%dma_wait3A_228, %dma_wait3A_229] : memref<80x128xi32, #tpu.memory_space<vmem>> -> memref<1x128xi32, #tpu.memory_space<vmem>>
      %dma_wait3A_231 = tpu.memref_squeeze %dma_wait3A_230 : memref<1x128xi32, #tpu.memory_space<vmem>> -> memref<128xi32, #tpu.memory_space<vmem>>
      %dma_wait3A_232 = arith.constant 0 : i32
      %dma_wait3A_233 = tpu.memref_slice %arg8[%dma_wait3A_232] : memref<10240xf32, #tpu.memory_space<vmem_shared>> -> memref<10240xf32, #tpu.memory_space<vmem_shared>>
      tpu.wait_indirect_dma semaphore(%arg7 : memref<!tpu.dma_semaphore, #tpu.memory_space<semaphore_mem>>) src(%arg5 : memref<128xf32, #tpu.memory_space<vmem>>) dst(%dma_wait3A_233 : memref<10240xf32, #tpu.memory_space<vmem_shared>>)
      %dma_wait3A_234 = arith.constant 0 : i32
      %dma_wait3A_235 = arith.constant 0 : i32
      %dma_wait3A_236 = tpu.memref_slice %arg4[%dma_wait3A_234, %dma_wait3A_235] : memref<80x128xi32, #tpu.memory_space<vmem>> -> memref<1x128xi32, #tpu.memory_space<vmem>>
      %dma_wait3A_237 = tpu.memref_squeeze %dma_wait3A_236 : memref<1x128xi32, #tpu.memory_space<vmem>> -> memref<128xi32, #tpu.memory_space<vmem>>
      %dma_wait3A_238 = arith.constant 0 : i32
      %dma_wait3A_239 = tpu.memref_slice %arg8[%dma_wait3A_238] : memref<10240xf32, #tpu.memory_space<vmem_shared>> -> memref<10240xf32, #tpu.memory_space<vmem_shared>>
      tpu.wait_indirect_dma semaphore(%arg7 : memref<!tpu.dma_semaphore, #tpu.memory_space<semaphore_mem>>) src(%arg5 : memref<128xf32, #tpu.memory_space<vmem>>) dst(%dma_wait3A_239 : memref<10240xf32, #tpu.memory_space<vmem_shared>>)
      %dma_wait3A_240 = arith.constant 0 : i32
      %dma_wait3A_241 = arith.constant 0 : i32
      %dma_wait3A_242 = tpu.memref_slice %arg4[%dma_wait3A_240, %dma_wait3A_241] : memref<80x128xi32, #tpu.memory_space<vmem>> -> memref<1x128xi32, #tpu.memory_space<vmem>>
      %dma_wait3A_243 = tpu.memref_squeeze %dma_wait3A_242 : memref<1x128xi32, #tpu.memory_space<vmem>> -> memref<128xi32, #tpu.memory_space<vmem>>
      %dma_wait3A_244 = arith.constant 0 : i32
      %dma_wait3A_245 = tpu.memref_slice %arg8[%dma_wait3A_244] : memref<10240xf32, #tpu.memory_space<vmem_shared>> -> memref<10240xf32, #tpu.memory_space<vmem_shared>>
      tpu.wait_indirect_dma semaphore(%arg7 : memref<!tpu.dma_semaphore, #tpu.memory_space<semaphore_mem>>) src(%arg5 : memref<128xf32, #tpu.memory_space<vmem>>) dst(%dma_wait3A_245 : memref<10240xf32, #tpu.memory_space<vmem_shared>>)
      %dma_wait3A_246 = arith.constant 0 : i32
      %dma_wait3A_247 = arith.constant 0 : i32
      %dma_wait3A_248 = tpu.memref_slice %arg4[%dma_wait3A_246, %dma_wait3A_247] : memref<80x128xi32, #tpu.memory_space<vmem>> -> memref<1x128xi32, #tpu.memory_space<vmem>>
      %dma_wait3A_249 = tpu.memref_squeeze %dma_wait3A_248 : memref<1x128xi32, #tpu.memory_space<vmem>> -> memref<128xi32, #tpu.memory_space<vmem>>
      %dma_wait3A_250 = arith.constant 0 : i32
      %dma_wait3A_251 = tpu.memref_slice %arg8[%dma_wait3A_250] : memref<10240xf32, #tpu.memory_space<vmem_shared>> -> memref<10240xf32, #tpu.memory_space<vmem_shared>>
      tpu.wait_indirect_dma semaphore(%arg7 : memref<!tpu.dma_semaphore, #tpu.memory_space<semaphore_mem>>) src(%arg5 : memref<128xf32, #tpu.memory_space<vmem>>) dst(%dma_wait3A_251 : memref<10240xf32, #tpu.memory_space<vmem_shared>>)
      %dma_wait3A_252 = arith.constant 0 : i32
      %dma_wait3A_253 = arith.constant 0 : i32
      %dma_wait3A_254 = tpu.memref_slice %arg4[%dma_wait3A_252, %dma_wait3A_253] : memref<80x128xi32, #tpu.memory_space<vmem>> -> memref<1x128xi32, #tpu.memory_space<vmem>>
      %dma_wait3A_255 = tpu.memref_squeeze %dma_wait3A_254 : memref<1x128xi32, #tpu.memory_space<vmem>> -> memref<128xi32, #tpu.memory_space<vmem>>
      %dma_wait3A_256 = arith.constant 0 : i32
      %dma_wait3A_257 = tpu.memref_slice %arg8[%dma_wait3A_256] : memref<10240xf32, #tpu.memory_space<vmem_shared>> -> memref<10240xf32, #tpu.memory_space<vmem_shared>>
      tpu.wait_indirect_dma semaphore(%arg7 : memref<!tpu.dma_semaphore, #tpu.memory_space<semaphore_mem>>) src(%arg5 : memref<128xf32, #tpu.memory_space<vmem>>) dst(%dma_wait3A_257 : memref<10240xf32, #tpu.memory_space<vmem_shared>>)
      %dma_wait3A_258 = arith.constant 0 : i32
      %dma_wait3A_259 = arith.constant 0 : i32
      %dma_wait3A_260 = tpu.memref_slice %arg4[%dma_wait3A_258, %dma_wait3A_259] : memref<80x128xi32, #tpu.memory_space<vmem>> -> memref<1x128xi32, #tpu.memory_space<vmem>>
      %dma_wait3A_261 = tpu.memref_squeeze %dma_wait3A_260 : memref<1x128xi32, #tpu.memory_space<vmem>> -> memref<128xi32, #tpu.memory_space<vmem>>
      %dma_wait3A_262 = arith.constant 0 : i32
      %dma_wait3A_263 = tpu.memref_slice %arg8[%dma_wait3A_262] : memref<10240xf32, #tpu.memory_space<vmem_shared>> -> memref<10240xf32, #tpu.memory_space<vmem_shared>>
      tpu.wait_indirect_dma semaphore(%arg7 : memref<!tpu.dma_semaphore, #tpu.memory_space<semaphore_mem>>) src(%arg5 : memref<128xf32, #tpu.memory_space<vmem>>) dst(%dma_wait3A_263 : memref<10240xf32, #tpu.memory_space<vmem_shared>>)
      %dma_wait3A_264 = arith.constant 0 : i32
      %dma_wait3A_265 = arith.constant 0 : i32
      %dma_wait3A_266 = tpu.memref_slice %arg4[%dma_wait3A_264, %dma_wait3A_265] : memref<80x128xi32, #tpu.memory_space<vmem>> -> memref<1x128xi32, #tpu.memory_space<vmem>>
      %dma_wait3A_267 = tpu.memref_squeeze %dma_wait3A_266 : memref<1x128xi32, #tpu.memory_space<vmem>> -> memref<128xi32, #tpu.memory_space<vmem>>
      %dma_wait3A_268 = arith.constant 0 : i32
      %dma_wait3A_269 = tpu.memref_slice %arg8[%dma_wait3A_268] : memref<10240xf32, #tpu.memory_space<vmem_shared>> -> memref<10240xf32, #tpu.memory_space<vmem_shared>>
      tpu.wait_indirect_dma semaphore(%arg7 : memref<!tpu.dma_semaphore, #tpu.memory_space<semaphore_mem>>) src(%arg5 : memref<128xf32, #tpu.memory_space<vmem>>) dst(%dma_wait3A_269 : memref<10240xf32, #tpu.memory_space<vmem_shared>>)
      %scan3A_270 = arith.constant 0 : i32
      scf.yield %scan3A_270 : i32
    }
    %scan3A_24 = arith.constant 5 : i32
    %barrier3A_25 = arith.constant 0 : index
    tpu.barrier barrier_id(%barrier3A_25)
    %mul3A_26 = arith.constant 640 : i32
    %mul3A_27 = arith.muli %arg1, %mul3A_26 : i32
    %mul3A_28 = arith.constant 640 : i32
    %mul3A_29 = arith.muli %arg1, %mul3A_28 : i32
    "tpu.region"() ({
      %run_scoped3A = tpu.sem_alloc : memref<!tpu.dma_semaphore, #tpu.memory_space<semaphore_mem>>
      %dma_start3A = tpu.memref_slice %arg3[%arg0, %mul3A_29] : memref<2x10240xf32, #tpu.memory_space<hbm>> -> memref<1x640xf32, #tpu.memory_space<hbm>>
      %dma_start3A_30 = tpu.memref_squeeze %dma_start3A : memref<1x640xf32, #tpu.memory_space<hbm>> -> memref<640xf32, #tpu.memory_space<hbm>>
      %dma_start3A_31 = tpu.memref_slice %arg8[%mul3A_27] : memref<10240xf32, #tpu.memory_space<vmem_shared>> -> memref<640xf32, #tpu.memory_space<vmem_shared>>
      tpu.enqueue_dma source(%dma_start3A_31 : memref<640xf32, #tpu.memory_space<vmem_shared>>) target(%dma_start3A_30 : memref<640xf32, #tpu.memory_space<hbm>>) target_semaphore(%run_scoped3A : memref<!tpu.dma_semaphore, #tpu.memory_space<semaphore_mem>>)
      %dma_wait3A = tpu.memref_slice %arg3[%arg0, %mul3A_29] : memref<2x10240xf32, #tpu.memory_space<hbm>> -> memref<1x640xf32, #tpu.memory_space<hbm>>
      %dma_wait3A_32 = tpu.memref_squeeze %dma_wait3A : memref<1x640xf32, #tpu.memory_space<hbm>> -> memref<640xf32, #tpu.memory_space<hbm>>
      %dma_wait3A_33 = tpu.memref_slice %arg8[%mul3A_27] : memref<10240xf32, #tpu.memory_space<vmem_shared>> -> memref<640xf32, #tpu.memory_space<vmem_shared>>
      tpu.wait_dma2 semaphore(%run_scoped3A : memref<!tpu.dma_semaphore, #tpu.memory_space<semaphore_mem>>) src(%dma_wait3A_33 : memref<640xf32, #tpu.memory_space<vmem_shared>>) dst(%dma_wait3A_32 : memref<640xf32, #tpu.memory_space<hbm>>)
      tpu.yield
    }) : () -> ()
    return
  }
}

#map = affine_map<(d0, d1) -> (0, 0)>
#map1 = affine_map<(d0, d1) -> (0, 0, 0)>
module attributes {stable_mosaic.version = 14 : i64} {
  func.func @_edge_kernel(%arg0: i32, %arg1: i32, %arg2: memref<10000x128xf32, #tpu.memory_space<hbm>>, %arg3: memref<2560x128xi32, #tpu.memory_space<hbm>>, %arg4: memref<2560x128xi32, #tpu.memory_space<hbm>>, %arg5: memref<2x10240x128xf32, #tpu.memory_space<hbm>>, %arg6: memref<40x128xi32, #tpu.memory_space<vmem>>, %arg7: memref<40x128xi32, #tpu.memory_space<vmem>>, %arg8: memref<128x128xf32, #tpu.memory_space<vmem>>, %arg9: memref<128x128xf32, #tpu.memory_space<vmem>>, %arg10: memref<!tpu.dma_semaphore, #tpu.memory_space<semaphore_mem>>, %arg11: memref<!tpu.dma_semaphore, #tpu.memory_space<semaphore_mem>>, %arg12: memref<10240x128xf32, #tpu.memory_space<vmem_shared>>) attributes {dimension_semantics = [#tpu.dimension_semantics<core_parallel>, #tpu.dimension_semantics<subcore_parallel>], iteration_bounds = array<i64: 2, 16>, scalar_prefetch = 0 : i64, scratch_operands = 7 : i64, tpu.core_type = #tpu.core_type<sc_vector_subcore>, window_params = [{transform_indices = #map}, {transform_indices = #map}, {transform_indices = #map}, {transform_indices = #map1}]} {
    %mul3A = arith.constant 2 : i32
    %mul3A_0 = arith.muli %arg1, %mul3A : i32
    %add3A = arith.addi %mul3A_0, %arg0 : i32
    %scan3A = arith.constant 0 : i32
    %scan3A_1 = arith.constant 0 : i32
    %scan3A_2 = arith.constant 128 : i32
    %scan3A_3 = arith.addi %scan3A_1, %scan3A_2 : i32
    %scan3A_4 = arith.constant 1 : i32
    %scan3A_5 = scf.for %scan3A_75 = %scan3A_1 to %scan3A_3 step %scan3A_4 iter_args(%scan3A_76 = %scan3A) -> (i32)  : i32 {
      %scan3A_77 = arith.constant 0 : i32
      %scan3A_78 = arith.constant 0 : i32
      %scan3A_79 = arith.constant 8 : i32
      %scan3A_80 = arith.addi %scan3A_78, %scan3A_79 : i32
      %scan3A_81 = arith.constant 1 : i32
      %scan3A_82 = scf.for %scan3A_85 = %scan3A_78 to %scan3A_80 step %scan3A_81 iter_args(%scan3A_86 = %scan3A_77) -> (i32)  : i32 {
        %broadcast_in_dim3A = arith.constant 0.000000e+00 : f32
        %broadcast_in_dim3A_87 = vector.broadcast %broadcast_in_dim3A : f32 to vector<16xf32>
        %mul3A_88 = arith.constant 16 : i32
        %mul3A_89 = arith.muli %scan3A_85, %mul3A_88 : i32
        %swap3A = arith.index_cast %scan3A_75 : i32 to index
        %swap3A_90 = arith.index_cast %mul3A_89 : i32 to index
        %swap3A_91 = tpu.vector_load %arg8[%swap3A, %swap3A_90] {strides = array<i32>} : memref<128x128xf32, #tpu.memory_space<vmem>>, vector<1x16xf32>,
        %swap3A_92 = vector.shape_cast %swap3A_91 : vector<1x16xf32> to vector<16xf32>
        %swap3A_93 = vector.shape_cast %broadcast_in_dim3A_87 : vector<16xf32> to vector<1x16xf32>
        tpu.vector_store %arg8[%swap3A, %swap3A_90], %swap3A_93 {strides = array<i32>} : memref<128x128xf32, #tpu.memory_space<vmem>>, vector<1x16xf32>,
        %scan3A_94 = arith.constant 0 : i32
        scf.yield %scan3A_94 : i32
      }
      %scan3A_83 = arith.constant 8 : i32
      %scan3A_84 = arith.constant 0 : i32
      scf.yield %scan3A_84 : i32
    }
    %scan3A_6 = arith.constant 128 : i32
    %scan3A_7 = arith.constant 0 : i32
    %scan3A_8 = arith.constant 0 : i32
    %scan3A_9 = arith.constant 5 : i32
    %scan3A_10 = arith.addi %scan3A_8, %scan3A_9 : i32
    %scan3A_11 = arith.constant 1 : i32
    %scan3A_12 = scf.for %scan3A_75 = %scan3A_8 to %scan3A_10 step %scan3A_11 iter_args(%scan3A_76 = %scan3A_7) -> (i32)  : i32 {
      %mul3A_77 = arith.constant 640 : i32
      %mul3A_78 = arith.muli %arg1, %mul3A_77 : i32
      %mul3A_79 = arith.constant 128 : i32
      %mul3A_80 = arith.muli %scan3A_75, %mul3A_79 : i32
      %add3A_81 = arith.addi %mul3A_78, %mul3A_80 : i32
      "tpu.region"() ({
        %run_scoped3A = tpu.sem_alloc : memref<!tpu.dma_semaphore, #tpu.memory_space<semaphore_mem>>
        %dma_start3A_83 = arith.constant 0 : i32
        %dma_start3A_84 = tpu.memref_slice %arg12[%add3A_81, %dma_start3A_83] : memref<10240x128xf32, #tpu.memory_space<vmem_shared>> -> memref<128x128xf32, #tpu.memory_space<vmem_shared>>
        %dma_start3A_85 = arith.constant 0 : i32
        %dma_start3A_86 = tpu.memref_slice %arg12[%add3A_81, %dma_start3A_85] : memref<10240x128xf32, #tpu.memory_space<vmem_shared>> -> memref<128x128xf32, #tpu.memory_space<vmem_shared>>
        tpu.enqueue_dma source(%arg8 : memref<128x128xf32, #tpu.memory_space<vmem>>) target(%dma_start3A_86 : memref<128x128xf32, #tpu.memory_space<vmem_shared>>) target_semaphore(%run_scoped3A : memref<!tpu.dma_semaphore, #tpu.memory_space<semaphore_mem>>)
        %dma_wait3A_87 = arith.constant 0 : i32
        %dma_wait3A_88 = tpu.memref_slice %arg12[%add3A_81, %dma_wait3A_87] : memref<10240x128xf32, #tpu.memory_space<vmem_shared>> -> memref<128x128xf32, #tpu.memory_space<vmem_shared>>
        %dma_wait3A_89 = arith.constant 0 : i32
        %dma_wait3A_90 = tpu.memref_slice %arg12[%add3A_81, %dma_wait3A_89] : memref<10240x128xf32, #tpu.memory_space<vmem_shared>> -> memref<128x128xf32, #tpu.memory_space<vmem_shared>>
        tpu.wait_dma2 semaphore(%run_scoped3A : memref<!tpu.dma_semaphore, #tpu.memory_space<semaphore_mem>>) src(%arg8 : memref<128x128xf32, #tpu.memory_space<vmem>>) dst(%dma_wait3A_90 : memref<128x128xf32, #tpu.memory_space<vmem_shared>>)
        tpu.yield
      }) : () -> ()
      %scan3A_82 = arith.constant 0 : i32
      scf.yield %scan3A_82 : i32
    }
    %scan3A_13 = arith.constant 5 : i32
    %barrier3A = arith.constant 0 : index
    tpu.barrier barrier_id(%barrier3A)
    %mul3A_14 = arith.constant 80 : i32
    %mul3A_15 = arith.muli %add3A, %mul3A_14 : i32
    %add3A_16 = arith.constant 0 : i32
    %add3A_17 = arith.addi %mul3A_15, %add3A_16 : i32
    "tpu.region"() ({
      %run_scoped3A = tpu.sem_alloc : memref<!tpu.dma_semaphore, #tpu.memory_space<semaphore_mem>>
      %dma_start3A_75 = arith.constant 0 : i32
      %dma_start3A_76 = tpu.memref_slice %arg3[%add3A_17, %dma_start3A_75] : memref<2560x128xi32, #tpu.memory_space<hbm>> -> memref<40x128xi32, #tpu.memory_space<hbm>>
      %dma_start3A_77 = arith.constant 0 : i32
      %dma_start3A_78 = tpu.memref_slice %arg3[%add3A_17, %dma_start3A_77] : memref<2560x128xi32, #tpu.memory_space<hbm>> -> memref<40x128xi32, #tpu.memory_space<hbm>>
      tpu.enqueue_dma source(%dma_start3A_78 : memref<40x128xi32, #tpu.memory_space<hbm>>) target(%arg6 : memref<40x128xi32, #tpu.memory_space<vmem>>) target_semaphore(%run_scoped3A : memref<!tpu.dma_semaphore, #tpu.memory_space<semaphore_mem>>)
      %dma_wait3A_79 = arith.constant 0 : i32
      %dma_wait3A_80 = tpu.memref_slice %arg3[%add3A_17, %dma_wait3A_79] : memref<2560x128xi32, #tpu.memory_space<hbm>> -> memref<40x128xi32, #tpu.memory_space<hbm>>
      %dma_wait3A_81 = arith.constant 0 : i32
      %dma_wait3A_82 = tpu.memref_slice %arg3[%add3A_17, %dma_wait3A_81] : memref<2560x128xi32, #tpu.memory_space<hbm>> -> memref<40x128xi32, #tpu.memory_space<hbm>>
      tpu.wait_dma2 semaphore(%run_scoped3A : memref<!tpu.dma_semaphore, #tpu.memory_space<semaphore_mem>>) src(%dma_wait3A_82 : memref<40x128xi32, #tpu.memory_space<hbm>>) dst(%arg6 : memref<40x128xi32, #tpu.memory_space<vmem>>)
      tpu.yield
    }) : () -> ()
    %mul3A_18 = arith.constant 80 : i32
    %mul3A_19 = arith.muli %add3A, %mul3A_18 : i32
    %add3A_20 = arith.constant 0 : i32
    %add3A_21 = arith.addi %mul3A_19, %add3A_20 : i32
    "tpu.region"() ({
      %run_scoped3A = tpu.sem_alloc : memref<!tpu.dma_semaphore, #tpu.memory_space<semaphore_mem>>
      %dma_start3A_75 = arith.constant 0 : i32
      %dma_start3A_76 = tpu.memref_slice %arg4[%add3A_21, %dma_start3A_75] : memref<2560x128xi32, #tpu.memory_space<hbm>> -> memref<40x128xi32, #tpu.memory_space<hbm>>
      %dma_start3A_77 = arith.constant 0 : i32
      %dma_start3A_78 = tpu.memref_slice %arg4[%add3A_21, %dma_start3A_77] : memref<2560x128xi32, #tpu.memory_space<hbm>> -> memref<40x128xi32, #tpu.memory_space<hbm>>
      tpu.enqueue_dma source(%dma_start3A_78 : memref<40x128xi32, #tpu.memory_space<hbm>>) target(%arg7 : memref<40x128xi32, #tpu.memory_space<vmem>>) target_semaphore(%run_scoped3A : memref<!tpu.dma_semaphore, #tpu.memory_space<semaphore_mem>>)
      %dma_wait3A_79 = arith.constant 0 : i32
      %dma_wait3A_80 = tpu.memref_slice %arg4[%add3A_21, %dma_wait3A_79] : memref<2560x128xi32, #tpu.memory_space<hbm>> -> memref<40x128xi32, #tpu.memory_space<hbm>>
      %dma_wait3A_81 = arith.constant 0 : i32
      %dma_wait3A_82 = tpu.memref_slice %arg4[%add3A_21, %dma_wait3A_81] : memref<2560x128xi32, #tpu.memory_space<hbm>> -> memref<40x128xi32, #tpu.memory_space<hbm>>
      tpu.wait_dma2 semaphore(%run_scoped3A : memref<!tpu.dma_semaphore, #tpu.memory_space<semaphore_mem>>) src(%dma_wait3A_82 : memref<40x128xi32, #tpu.memory_space<hbm>>) dst(%arg7 : memref<40x128xi32, #tpu.memory_space<vmem>>)
      tpu.yield
    }) : () -> ()
    %dma_start3A = arith.constant 0 : i32
    %dma_start3A_22 = arith.constant 0 : i32
    %dma_start3A_23 = tpu.memref_slice %arg6[%dma_start3A, %dma_start3A_22] : memref<40x128xi32, #tpu.memory_space<vmem>> -> memref<1x128xi32, #tpu.memory_space<vmem>>
    %dma_start3A_24 = tpu.memref_squeeze %dma_start3A_23 : memref<1x128xi32, #tpu.memory_space<vmem>> -> memref<128xi32, #tpu.memory_space<vmem>>
    %dma_start3A_25 = arith.constant 0 : i32
    %dma_start3A_26 = arith.constant 0 : i32
    %dma_start3A_27 = tpu.memref_slice %arg2[%dma_start3A_25, %dma_start3A_26] : memref<10000x128xf32, #tpu.memory_space<hbm>> -> memref<10000x128xf32, #tpu.memory_space<hbm>>
    tpu.enqueue_indirect_dma source(%dma_start3A_27 : memref<10000x128xf32, #tpu.memory_space<hbm>>) target(%arg8 : memref<128x128xf32, #tpu.memory_space<vmem>>) offsets(%dma_start3A_24 : memref<128xi32, #tpu.memory_space<vmem>>) semaphore(%arg10 : memref<!tpu.dma_semaphore, #tpu.memory_space<semaphore_mem>>)
    %scan3A_28 = arith.constant 0 : i32
    %scan3A_29 = arith.constant 0 : i32
    %scan3A_30 = arith.constant 20 : i32
    %scan3A_31 = arith.addi %scan3A_29, %scan3A_30 : i32
    %scan3A_32 = arith.constant 1 : i32
    %scan3A_33 = scf.for %scan3A_75 = %scan3A_29 to %scan3A_31 step %scan3A_32 iter_args(%scan3A_76 = %scan3A_28) -> (i32)  : i32 {
      %mul3A_77 = arith.constant 2 : i32
      %mul3A_78 = arith.muli %mul3A_77, %scan3A_75 : i32
      %add3A_79 = arith.constant 1 : i32
      %add3A_80 = arith.addi %mul3A_78, %add3A_79 : i32
      %add3A_81 = arith.constant 2 : i32
      %add3A_82 = arith.addi %mul3A_78, %add3A_81 : i32
      %min3A = arith.constant 39 : i32
      %min3A_83 = arith.minsi %add3A_82, %min3A : i32
      %dma_wait3A_84 = arith.constant 0 : i32
      %dma_wait3A_85 = tpu.memref_slice %arg6[%mul3A_78, %dma_wait3A_84] : memref<40x128xi32, #tpu.memory_space<vmem>> -> memref<1x128xi32, #tpu.memory_space<vmem>>
      %dma_wait3A_86 = tpu.memref_squeeze %dma_wait3A_85 : memref<1x128xi32, #tpu.memory_space<vmem>> -> memref<128xi32, #tpu.memory_space<vmem>>
      %dma_wait3A_87 = arith.constant 0 : i32
      %dma_wait3A_88 = arith.constant 0 : i32
      %dma_wait3A_89 = tpu.memref_slice %arg2[%dma_wait3A_87, %dma_wait3A_88] : memref<10000x128xf32, #tpu.memory_space<hbm>> -> memref<10000x128xf32, #tpu.memory_space<hbm>>
      tpu.wait_indirect_dma semaphore(%arg10 : memref<!tpu.dma_semaphore, #tpu.memory_space<semaphore_mem>>) src(%dma_wait3A_89 : memref<10000x128xf32, #tpu.memory_space<hbm>>) dst(%arg8 : memref<128x128xf32, #tpu.memory_space<vmem>>)
      %dma_start3A_90 = arith.constant 0 : i32
      %dma_start3A_91 = tpu.memref_slice %arg6[%add3A_80, %dma_start3A_90] : memref<40x128xi32, #tpu.memory_space<vmem>> -> memref<1x128xi32, #tpu.memory_space<vmem>>
      %dma_start3A_92 = tpu.memref_squeeze %dma_start3A_91 : memref<1x128xi32, #tpu.memory_space<vmem>> -> memref<128xi32, #tpu.memory_space<vmem>>
      %dma_start3A_93 = arith.constant 0 : i32
      %dma_start3A_94 = arith.constant 0 : i32
      %dma_start3A_95 = tpu.memref_slice %arg2[%dma_start3A_93, %dma_start3A_94] : memref<10000x128xf32, #tpu.memory_space<hbm>> -> memref<10000x128xf32, #tpu.memory_space<hbm>>
      tpu.enqueue_indirect_dma source(%dma_start3A_95 : memref<10000x128xf32, #tpu.memory_space<hbm>>) target(%arg9 : memref<128x128xf32, #tpu.memory_space<vmem>>) offsets(%dma_start3A_92 : memref<128xi32, #tpu.memory_space<vmem>>) semaphore(%arg11 : memref<!tpu.dma_semaphore, #tpu.memory_space<semaphore_mem>>)
      "tpu.region"() ({
        %run_scoped3A = tpu.sem_alloc : memref<!tpu.dma_semaphore, #tpu.memory_space<semaphore_mem>>
        %dma_start3A_109 = arith.constant 0 : i32
        %dma_start3A_110 = tpu.memref_slice %arg7[%mul3A_78, %dma_start3A_109] : memref<40x128xi32, #tpu.memory_space<vmem>> -> memref<1x128xi32, #tpu.memory_space<vmem>>
        %dma_start3A_111 = tpu.memref_squeeze %dma_start3A_110 : memref<1x128xi32, #tpu.memory_space<vmem>> -> memref<128xi32, #tpu.memory_space<vmem>>
        %dma_start3A_112 = arith.constant 0 : i32
        %dma_start3A_113 = arith.constant 0 : i32
        %dma_start3A_114 = tpu.memref_slice %arg12[%dma_start3A_112, %dma_start3A_113] : memref<10240x128xf32, #tpu.memory_space<vmem_shared>> -> memref<10240x128xf32, #tpu.memory_space<vmem_shared>>
        tpu.enqueue_indirect_dma source(%arg8 : memref<128x128xf32, #tpu.memory_space<vmem>>) target(%dma_start3A_114 : memref<10240x128xf32, #tpu.memory_space<vmem_shared>>) offsets(%dma_start3A_111 : memref<128xi32, #tpu.memory_space<vmem>>) semaphore(%run_scoped3A : memref<!tpu.dma_semaphore, #tpu.memory_space<semaphore_mem>>) {add = true}
        %dma_wait3A_115 = arith.constant 0 : i32
        %dma_wait3A_116 = tpu.memref_slice %arg7[%mul3A_78, %dma_wait3A_115] : memref<40x128xi32, #tpu.memory_space<vmem>> -> memref<1x128xi32, #tpu.memory_space<vmem>>
        %dma_wait3A_117 = tpu.memref_squeeze %dma_wait3A_116 : memref<1x128xi32, #tpu.memory_space<vmem>> -> memref<128xi32, #tpu.memory_space<vmem>>
        %dma_wait3A_118 = arith.constant 0 : i32
        %dma_wait3A_119 = arith.constant 0 : i32
        %dma_wait3A_120 = tpu.memref_slice %arg12[%dma_wait3A_118, %dma_wait3A_119] : memref<10240x128xf32, #tpu.memory_space<vmem_shared>> -> memref<10240x128xf32, #tpu.memory_space<vmem_shared>>
        tpu.wait_indirect_dma semaphore(%run_scoped3A : memref<!tpu.dma_semaphore, #tpu.memory_space<semaphore_mem>>) src(%arg8 : memref<128x128xf32, #tpu.memory_space<vmem>>) dst(%dma_wait3A_120 : memref<10240x128xf32, #tpu.memory_space<vmem_shared>>)
        tpu.yield
      }) : () -> ()
      %dma_wait3A_96 = arith.constant 0 : i32
      %dma_wait3A_97 = tpu.memref_slice %arg6[%add3A_80, %dma_wait3A_96] : memref<40x128xi32, #tpu.memory_space<vmem>> -> memref<1x128xi32, #tpu.memory_space<vmem>>
      %dma_wait3A_98 = tpu.memref_squeeze %dma_wait3A_97 : memref<1x128xi32, #tpu.memory_space<vmem>> -> memref<128xi32, #tpu.memory_space<vmem>>
      %dma_wait3A_99 = arith.constant 0 : i32
      %dma_wait3A_100 = arith.constant 0 : i32
      %dma_wait3A_101 = tpu.memref_slice %arg2[%dma_wait3A_99, %dma_wait3A_100] : memref<10000x128xf32, #tpu.memory_space<hbm>> -> memref<10000x128xf32, #tpu.memory_space<hbm>>
      tpu.wait_indirect_dma semaphore(%arg11 : memref<!tpu.dma_semaphore, #tpu.memory_space<semaphore_mem>>) src(%dma_wait3A_101 : memref<10000x128xf32, #tpu.memory_space<hbm>>) dst(%arg9 : memref<128x128xf32, #tpu.memory_space<vmem>>)
      %dma_start3A_102 = arith.constant 0 : i32
      %dma_start3A_103 = tpu.memref_slice %arg6[%min3A_83, %dma_start3A_102] : memref<40x128xi32, #tpu.memory_space<vmem>> -> memref<1x128xi32, #tpu.memory_space<vmem>>
      %dma_start3A_104 = tpu.memref_squeeze %dma_start3A_103 : memref<1x128xi32, #tpu.memory_space<vmem>> -> memref<128xi32, #tpu.memory_space<vmem>>
      %dma_start3A_105 = arith.constant 0 : i32
      %dma_start3A_106 = arith.constant 0 : i32
      %dma_start3A_107 = tpu.memref_slice %arg2[%dma_start3A_105, %dma_start3A_106] : memref<10000x128xf32, #tpu.memory_space<hbm>> -> memref<10000x128xf32, #tpu.memory_space<hbm>>
      tpu.enqueue_indirect_dma source(%dma_start3A_107 : memref<10000x128xf32, #tpu.memory_space<hbm>>) target(%arg8 : memref<128x128xf32, #tpu.memory_space<vmem>>) offsets(%dma_start3A_104 : memref<128xi32, #tpu.memory_space<vmem>>) semaphore(%arg10 : memref<!tpu.dma_semaphore, #tpu.memory_space<semaphore_mem>>)
      "tpu.region"() ({
        %run_scoped3A = tpu.sem_alloc : memref<!tpu.dma_semaphore, #tpu.memory_space<semaphore_mem>>
        %dma_start3A_109 = arith.constant 0 : i32
        %dma_start3A_110 = tpu.memref_slice %arg7[%add3A_80, %dma_start3A_109] : memref<40x128xi32, #tpu.memory_space<vmem>> -> memref<1x128xi32, #tpu.memory_space<vmem>>
        %dma_start3A_111 = tpu.memref_squeeze %dma_start3A_110 : memref<1x128xi32, #tpu.memory_space<vmem>> -> memref<128xi32, #tpu.memory_space<vmem>>
        %dma_start3A_112 = arith.constant 0 : i32
        %dma_start3A_113 = arith.constant 0 : i32
        %dma_start3A_114 = tpu.memref_slice %arg12[%dma_start3A_112, %dma_start3A_113] : memref<10240x128xf32, #tpu.memory_space<vmem_shared>> -> memref<10240x128xf32, #tpu.memory_space<vmem_shared>>
        tpu.enqueue_indirect_dma source(%arg9 : memref<128x128xf32, #tpu.memory_space<vmem>>) target(%dma_start3A_114 : memref<10240x128xf32, #tpu.memory_space<vmem_shared>>) offsets(%dma_start3A_111 : memref<128xi32, #tpu.memory_space<vmem>>) semaphore(%run_scoped3A : memref<!tpu.dma_semaphore, #tpu.memory_space<semaphore_mem>>) {add = true}
        %dma_wait3A_115 = arith.constant 0 : i32
        %dma_wait3A_116 = tpu.memref_slice %arg7[%add3A_80, %dma_wait3A_115] : memref<40x128xi32, #tpu.memory_space<vmem>> -> memref<1x128xi32, #tpu.memory_space<vmem>>
        %dma_wait3A_117 = tpu.memref_squeeze %dma_wait3A_116 : memref<1x128xi32, #tpu.memory_space<vmem>> -> memref<128xi32, #tpu.memory_space<vmem>>
        %dma_wait3A_118 = arith.constant 0 : i32
        %dma_wait3A_119 = arith.constant 0 : i32
        %dma_wait3A_120 = tpu.memref_slice %arg12[%dma_wait3A_118, %dma_wait3A_119] : memref<10240x128xf32, #tpu.memory_space<vmem_shared>> -> memref<10240x128xf32, #tpu.memory_space<vmem_shared>>
        tpu.wait_indirect_dma semaphore(%run_scoped3A : memref<!tpu.dma_semaphore, #tpu.memory_space<semaphore_mem>>) src(%arg9 : memref<128x128xf32, #tpu.memory_space<vmem>>) dst(%dma_wait3A_120 : memref<10240x128xf32, #tpu.memory_space<vmem_shared>>)
        tpu.yield
      }) : () -> ()
      %scan3A_108 = arith.constant 0 : i32
      scf.yield %scan3A_108 : i32
    }
    %scan3A_34 = arith.constant 20 : i32
    %dma_wait3A = arith.constant 39 : i32
    %dma_wait3A_35 = arith.constant 0 : i32
    %dma_wait3A_36 = tpu.memref_slice %arg6[%dma_wait3A, %dma_wait3A_35] : memref<40x128xi32, #tpu.memory_space<vmem>> -> memref<1x128xi32, #tpu.memory_space<vmem>>
    %dma_wait3A_37 = tpu.memref_squeeze %dma_wait3A_36 : memref<1x128xi32, #tpu.memory_space<vmem>> -> memref<128xi32, #tpu.memory_space<vmem>>
    %dma_wait3A_38 = arith.constant 0 : i32
    %dma_wait3A_39 = arith.constant 0 : i32
    %dma_wait3A_40 = tpu.memref_slice %arg2[%dma_wait3A_38, %dma_wait3A_39] : memref<10000x128xf32, #tpu.memory_space<hbm>> -> memref<10000x128xf32, #tpu.memory_space<hbm>>
    tpu.wait_indirect_dma semaphore(%arg10 : memref<!tpu.dma_semaphore, #tpu.memory_space<semaphore_mem>>) src(%dma_wait3A_40 : memref<10000x128xf32, #tpu.memory_space<hbm>>) dst(%arg8 : memref<128x128xf32, #tpu.memory_space<vmem>>)
    %mul3A_41 = arith.constant 80 : i32
    %mul3A_42 = arith.muli %add3A, %mul3A_41 : i32
    %add3A_43 = arith.constant 40 : i32
    %add3A_44 = arith.addi %mul3A_42, %add3A_43 : i32
    "tpu.region"() ({
      %run_scoped3A = tpu.sem_alloc : memref<!tpu.dma_semaphore, #tpu.memory_space<semaphore_mem>>
      %dma_start3A_75 = arith.constant 0 : i32
      %dma_start3A_76 = tpu.memref_slice %arg3[%add3A_44, %dma_start3A_75] : memref<2560x128xi32, #tpu.memory_space<hbm>> -> memref<40x128xi32, #tpu.memory_space<hbm>>
      %dma_start3A_77 = arith.constant 0 : i32
      %dma_start3A_78 = tpu.memref_slice %arg3[%add3A_44, %dma_start3A_77] : memref<2560x128xi32, #tpu.memory_space<hbm>> -> memref<40x128xi32, #tpu.memory_space<hbm>>
      tpu.enqueue_dma source(%dma_start3A_78 : memref<40x128xi32, #tpu.memory_space<hbm>>) target(%arg6 : memref<40x128xi32, #tpu.memory_space<vmem>>) target_semaphore(%run_scoped3A : memref<!tpu.dma_semaphore, #tpu.memory_space<semaphore_mem>>)
      %dma_wait3A_79 = arith.constant 0 : i32
      %dma_wait3A_80 = tpu.memref_slice %arg3[%add3A_44, %dma_wait3A_79] : memref<2560x128xi32, #tpu.memory_space<hbm>> -> memref<40x128xi32, #tpu.memory_space<hbm>>
      %dma_wait3A_81 = arith.constant 0 : i32
      %dma_wait3A_82 = tpu.memref_slice %arg3[%add3A_44, %dma_wait3A_81] : memref<2560x128xi32, #tpu.memory_space<hbm>> -> memref<40x128xi32, #tpu.memory_space<hbm>>
      tpu.wait_dma2 semaphore(%run_scoped3A : memref<!tpu.dma_semaphore, #tpu.memory_space<semaphore_mem>>) src(%dma_wait3A_82 : memref<40x128xi32, #tpu.memory_space<hbm>>) dst(%arg6 : memref<40x128xi32, #tpu.memory_space<vmem>>)
      tpu.yield
    }) : () -> ()
    %mul3A_45 = arith.constant 80 : i32
    %mul3A_46 = arith.muli %add3A, %mul3A_45 : i32
    %add3A_47 = arith.constant 40 : i32
    %add3A_48 = arith.addi %mul3A_46, %add3A_47 : i32
    "tpu.region"() ({
      %run_scoped3A = tpu.sem_alloc : memref<!tpu.dma_semaphore, #tpu.memory_space<semaphore_mem>>
      %dma_start3A_75 = arith.constant 0 : i32
      %dma_start3A_76 = tpu.memref_slice %arg4[%add3A_48, %dma_start3A_75] : memref<2560x128xi32, #tpu.memory_space<hbm>> -> memref<40x128xi32, #tpu.memory_space<hbm>>
      %dma_start3A_77 = arith.constant 0 : i32
      %dma_start3A_78 = tpu.memref_slice %arg4[%add3A_48, %dma_start3A_77] : memref<2560x128xi32, #tpu.memory_space<hbm>> -> memref<40x128xi32, #tpu.memory_space<hbm>>
      tpu.enqueue_dma source(%dma_start3A_78 : memref<40x128xi32, #tpu.memory_space<hbm>>) target(%arg7 : memref<40x128xi32, #tpu.memory_space<vmem>>) target_semaphore(%run_scoped3A : memref<!tpu.dma_semaphore, #tpu.memory_space<semaphore_mem>>)
      %dma_wait3A_79 = arith.constant 0 : i32
      %dma_wait3A_80 = tpu.memref_slice %arg4[%add3A_48, %dma_wait3A_79] : memref<2560x128xi32, #tpu.memory_space<hbm>> -> memref<40x128xi32, #tpu.memory_space<hbm>>
      %dma_wait3A_81 = arith.constant 0 : i32
      %dma_wait3A_82 = tpu.memref_slice %arg4[%add3A_48, %dma_wait3A_81] : memref<2560x128xi32, #tpu.memory_space<hbm>> -> memref<40x128xi32, #tpu.memory_space<hbm>>
      tpu.wait_dma2 semaphore(%run_scoped3A : memref<!tpu.dma_semaphore, #tpu.memory_space<semaphore_mem>>) src(%dma_wait3A_82 : memref<40x128xi32, #tpu.memory_space<hbm>>) dst(%arg7 : memref<40x128xi32, #tpu.memory_space<vmem>>)
      tpu.yield
    }) : () -> ()
    %dma_start3A_49 = arith.constant 0 : i32
    %dma_start3A_50 = arith.constant 0 : i32
    %dma_start3A_51 = tpu.memref_slice %arg6[%dma_start3A_49, %dma_start3A_50] : memref<40x128xi32, #tpu.memory_space<vmem>> -> memref<1x128xi32, #tpu.memory_space<vmem>>
    %dma_start3A_52 = tpu.memref_squeeze %dma_start3A_51 : memref<1x128xi32, #tpu.memory_space<vmem>> -> memref<128xi32, #tpu.memory_space<vmem>>
    %dma_start3A_53 = arith.constant 0 : i32
    %dma_start3A_54 = arith.constant 0 : i32
    %dma_start3A_55 = tpu.memref_slice %arg2[%dma_start3A_53, %dma_start3A_54] : memref<10000x128xf32, #tpu.memory_space<hbm>> -> memref<10000x128xf32, #tpu.memory_space<hbm>>
    tpu.enqueue_indirect_dma source(%dma_start3A_55 : memref<10000x128xf32, #tpu.memory_space<hbm>>) target(%arg8 : memref<128x128xf32, #tpu.memory_space<vmem>>) offsets(%dma_start3A_52 : memref<128xi32, #tpu.memory_space<vmem>>) semaphore(%arg10 : memref<!tpu.dma_semaphore, #tpu.memory_space<semaphore_mem>>)
    %scan3A_56 = arith.constant 0 : i32
    %scan3A_57 = arith.constant 0 : i32
    %scan3A_58 = arith.constant 20 : i32
    %scan3A_59 = arith.addi %scan3A_57, %scan3A_58 : i32
    %scan3A_60 = arith.constant 1 : i32
    %scan3A_61 = scf.for %scan3A_75 = %scan3A_57 to %scan3A_59 step %scan3A_60 iter_args(%scan3A_76 = %scan3A_56) -> (i32)  : i32 {
      %mul3A_77 = arith.constant 2 : i32
      %mul3A_78 = arith.muli %mul3A_77, %scan3A_75 : i32
      %add3A_79 = arith.constant 1 : i32
      %add3A_80 = arith.addi %mul3A_78, %add3A_79 : i32
      %add3A_81 = arith.constant 2 : i32
      %add3A_82 = arith.addi %mul3A_78, %add3A_81 : i32
      %min3A = arith.constant 39 : i32
      %min3A_83 = arith.minsi %add3A_82, %min3A : i32
      %dma_wait3A_84 = arith.constant 0 : i32
      %dma_wait3A_85 = tpu.memref_slice %arg6[%mul3A_78, %dma_wait3A_84] : memref<40x128xi32, #tpu.memory_space<vmem>> -> memref<1x128xi32, #tpu.memory_space<vmem>>
      %dma_wait3A_86 = tpu.memref_squeeze %dma_wait3A_85 : memref<1x128xi32, #tpu.memory_space<vmem>> -> memref<128xi32, #tpu.memory_space<vmem>>
      %dma_wait3A_87 = arith.constant 0 : i32
      %dma_wait3A_88 = arith.constant 0 : i32
      %dma_wait3A_89 = tpu.memref_slice %arg2[%dma_wait3A_87, %dma_wait3A_88] : memref<10000x128xf32, #tpu.memory_space<hbm>> -> memref<10000x128xf32, #tpu.memory_space<hbm>>
      tpu.wait_indirect_dma semaphore(%arg10 : memref<!tpu.dma_semaphore, #tpu.memory_space<semaphore_mem>>) src(%dma_wait3A_89 : memref<10000x128xf32, #tpu.memory_space<hbm>>) dst(%arg8 : memref<128x128xf32, #tpu.memory_space<vmem>>)
      %dma_start3A_90 = arith.constant 0 : i32
      %dma_start3A_91 = tpu.memref_slice %arg6[%add3A_80, %dma_start3A_90] : memref<40x128xi32, #tpu.memory_space<vmem>> -> memref<1x128xi32, #tpu.memory_space<vmem>>
      %dma_start3A_92 = tpu.memref_squeeze %dma_start3A_91 : memref<1x128xi32, #tpu.memory_space<vmem>> -> memref<128xi32, #tpu.memory_space<vmem>>
      %dma_start3A_93 = arith.constant 0 : i32
      %dma_start3A_94 = arith.constant 0 : i32
      %dma_start3A_95 = tpu.memref_slice %arg2[%dma_start3A_93, %dma_start3A_94] : memref<10000x128xf32, #tpu.memory_space<hbm>> -> memref<10000x128xf32, #tpu.memory_space<hbm>>
      tpu.enqueue_indirect_dma source(%dma_start3A_95 : memref<10000x128xf32, #tpu.memory_space<hbm>>) target(%arg9 : memref<128x128xf32, #tpu.memory_space<vmem>>) offsets(%dma_start3A_92 : memref<128xi32, #tpu.memory_space<vmem>>) semaphore(%arg11 : memref<!tpu.dma_semaphore, #tpu.memory_space<semaphore_mem>>)
      "tpu.region"() ({
        %run_scoped3A = tpu.sem_alloc : memref<!tpu.dma_semaphore, #tpu.memory_space<semaphore_mem>>
        %dma_start3A_109 = arith.constant 0 : i32
        %dma_start3A_110 = tpu.memref_slice %arg7[%mul3A_78, %dma_start3A_109] : memref<40x128xi32, #tpu.memory_space<vmem>> -> memref<1x128xi32, #tpu.memory_space<vmem>>
        %dma_start3A_111 = tpu.memref_squeeze %dma_start3A_110 : memref<1x128xi32, #tpu.memory_space<vmem>> -> memref<128xi32, #tpu.memory_space<vmem>>
        %dma_start3A_112 = arith.constant 0 : i32
        %dma_start3A_113 = arith.constant 0 : i32
        %dma_start3A_114 = tpu.memref_slice %arg12[%dma_start3A_112, %dma_start3A_113] : memref<10240x128xf32, #tpu.memory_space<vmem_shared>> -> memref<10240x128xf32, #tpu.memory_space<vmem_shared>>
        tpu.enqueue_indirect_dma source(%arg8 : memref<128x128xf32, #tpu.memory_space<vmem>>) target(%dma_start3A_114 : memref<10240x128xf32, #tpu.memory_space<vmem_shared>>) offsets(%dma_start3A_111 : memref<128xi32, #tpu.memory_space<vmem>>) semaphore(%run_scoped3A : memref<!tpu.dma_semaphore, #tpu.memory_space<semaphore_mem>>) {add = true}
        %dma_wait3A_115 = arith.constant 0 : i32
        %dma_wait3A_116 = tpu.memref_slice %arg7[%mul3A_78, %dma_wait3A_115] : memref<40x128xi32, #tpu.memory_space<vmem>> -> memref<1x128xi32, #tpu.memory_space<vmem>>
        %dma_wait3A_117 = tpu.memref_squeeze %dma_wait3A_116 : memref<1x128xi32, #tpu.memory_space<vmem>> -> memref<128xi32, #tpu.memory_space<vmem>>
        %dma_wait3A_118 = arith.constant 0 : i32
        %dma_wait3A_119 = arith.constant 0 : i32
        %dma_wait3A_120 = tpu.memref_slice %arg12[%dma_wait3A_118, %dma_wait3A_119] : memref<10240x128xf32, #tpu.memory_space<vmem_shared>> -> memref<10240x128xf32, #tpu.memory_space<vmem_shared>>
        tpu.wait_indirect_dma semaphore(%run_scoped3A : memref<!tpu.dma_semaphore, #tpu.memory_space<semaphore_mem>>) src(%arg8 : memref<128x128xf32, #tpu.memory_space<vmem>>) dst(%dma_wait3A_120 : memref<10240x128xf32, #tpu.memory_space<vmem_shared>>)
        tpu.yield
      }) : () -> ()
      %dma_wait3A_96 = arith.constant 0 : i32
      %dma_wait3A_97 = tpu.memref_slice %arg6[%add3A_80, %dma_wait3A_96] : memref<40x128xi32, #tpu.memory_space<vmem>> -> memref<1x128xi32, #tpu.memory_space<vmem>>
      %dma_wait3A_98 = tpu.memref_squeeze %dma_wait3A_97 : memref<1x128xi32, #tpu.memory_space<vmem>> -> memref<128xi32, #tpu.memory_space<vmem>>
      %dma_wait3A_99 = arith.constant 0 : i32
      %dma_wait3A_100 = arith.constant 0 : i32
      %dma_wait3A_101 = tpu.memref_slice %arg2[%dma_wait3A_99, %dma_wait3A_100] : memref<10000x128xf32, #tpu.memory_space<hbm>> -> memref<10000x128xf32, #tpu.memory_space<hbm>>
      tpu.wait_indirect_dma semaphore(%arg11 : memref<!tpu.dma_semaphore, #tpu.memory_space<semaphore_mem>>) src(%dma_wait3A_101 : memref<10000x128xf32, #tpu.memory_space<hbm>>) dst(%arg9 : memref<128x128xf32, #tpu.memory_space<vmem>>)
      %dma_start3A_102 = arith.constant 0 : i32
      %dma_start3A_103 = tpu.memref_slice %arg6[%min3A_83, %dma_start3A_102] : memref<40x128xi32, #tpu.memory_space<vmem>> -> memref<1x128xi32, #tpu.memory_space<vmem>>
      %dma_start3A_104 = tpu.memref_squeeze %dma_start3A_103 : memref<1x128xi32, #tpu.memory_space<vmem>> -> memref<128xi32, #tpu.memory_space<vmem>>
      %dma_start3A_105 = arith.constant 0 : i32
      %dma_start3A_106 = arith.constant 0 : i32
      %dma_start3A_107 = tpu.memref_slice %arg2[%dma_start3A_105, %dma_start3A_106] : memref<10000x128xf32, #tpu.memory_space<hbm>> -> memref<10000x128xf32, #tpu.memory_space<hbm>>
      tpu.enqueue_indirect_dma source(%dma_start3A_107 : memref<10000x128xf32, #tpu.memory_space<hbm>>) target(%arg8 : memref<128x128xf32, #tpu.memory_space<vmem>>) offsets(%dma_start3A_104 : memref<128xi32, #tpu.memory_space<vmem>>) semaphore(%arg10 : memref<!tpu.dma_semaphore, #tpu.memory_space<semaphore_mem>>)
      "tpu.region"() ({
        %run_scoped3A = tpu.sem_alloc : memref<!tpu.dma_semaphore, #tpu.memory_space<semaphore_mem>>
        %dma_start3A_109 = arith.constant 0 : i32
        %dma_start3A_110 = tpu.memref_slice %arg7[%add3A_80, %dma_start3A_109] : memref<40x128xi32, #tpu.memory_space<vmem>> -> memref<1x128xi32, #tpu.memory_space<vmem>>
        %dma_start3A_111 = tpu.memref_squeeze %dma_start3A_110 : memref<1x128xi32, #tpu.memory_space<vmem>> -> memref<128xi32, #tpu.memory_space<vmem>>
        %dma_start3A_112 = arith.constant 0 : i32
        %dma_start3A_113 = arith.constant 0 : i32
        %dma_start3A_114 = tpu.memref_slice %arg12[%dma_start3A_112, %dma_start3A_113] : memref<10240x128xf32, #tpu.memory_space<vmem_shared>> -> memref<10240x128xf32, #tpu.memory_space<vmem_shared>>
        tpu.enqueue_indirect_dma source(%arg9 : memref<128x128xf32, #tpu.memory_space<vmem>>) target(%dma_start3A_114 : memref<10240x128xf32, #tpu.memory_space<vmem_shared>>) offsets(%dma_start3A_111 : memref<128xi32, #tpu.memory_space<vmem>>) semaphore(%run_scoped3A : memref<!tpu.dma_semaphore, #tpu.memory_space<semaphore_mem>>) {add = true}
        %dma_wait3A_115 = arith.constant 0 : i32
        %dma_wait3A_116 = tpu.memref_slice %arg7[%add3A_80, %dma_wait3A_115] : memref<40x128xi32, #tpu.memory_space<vmem>> -> memref<1x128xi32, #tpu.memory_space<vmem>>
        %dma_wait3A_117 = tpu.memref_squeeze %dma_wait3A_116 : memref<1x128xi32, #tpu.memory_space<vmem>> -> memref<128xi32, #tpu.memory_space<vmem>>
        %dma_wait3A_118 = arith.constant 0 : i32
        %dma_wait3A_119 = arith.constant 0 : i32
        %dma_wait3A_120 = tpu.memref_slice %arg12[%dma_wait3A_118, %dma_wait3A_119] : memref<10240x128xf32, #tpu.memory_space<vmem_shared>> -> memref<10240x128xf32, #tpu.memory_space<vmem_shared>>
        tpu.wait_indirect_dma semaphore(%run_scoped3A : memref<!tpu.dma_semaphore, #tpu.memory_space<semaphore_mem>>) src(%arg9 : memref<128x128xf32, #tpu.memory_space<vmem>>) dst(%dma_wait3A_120 : memref<10240x128xf32, #tpu.memory_space<vmem_shared>>)
        tpu.yield
      }) : () -> ()
      %scan3A_108 = arith.constant 0 : i32
      scf.yield %scan3A_108 : i32
    }
    %scan3A_62 = arith.constant 20 : i32
    %dma_wait3A_63 = arith.constant 39 : i32
    %dma_wait3A_64 = arith.constant 0 : i32
    %dma_wait3A_65 = tpu.memref_slice %arg6[%dma_wait3A_63, %dma_wait3A_64] : memref<40x128xi32, #tpu.memory_space<vmem>> -> memref<1x128xi32, #tpu.memory_space<vmem>>
    %dma_wait3A_66 = tpu.memref_squeeze %dma_wait3A_65 : memref<1x128xi32, #tpu.memory_space<vmem>> -> memref<128xi32, #tpu.memory_space<vmem>>
    %dma_wait3A_67 = arith.constant 0 : i32
    %dma_wait3A_68 = arith.constant 0 : i32
    %dma_wait3A_69 = tpu.memref_slice %arg2[%dma_wait3A_67, %dma_wait3A_68] : memref<10000x128xf32, #tpu.memory_space<hbm>> -> memref<10000x128xf32, #tpu.memory_space<hbm>>
    tpu.wait_indirect_dma semaphore(%arg10 : memref<!tpu.dma_semaphore, #tpu.memory_space<semaphore_mem>>) src(%dma_wait3A_69 : memref<10000x128xf32, #tpu.memory_space<hbm>>) dst(%arg8 : memref<128x128xf32, #tpu.memory_space<vmem>>)
    %barrier3A_70 = arith.constant 0 : index
    tpu.barrier barrier_id(%barrier3A_70)
    %mul3A_71 = arith.constant 640 : i32
    %mul3A_72 = arith.muli %arg1, %mul3A_71 : i32
    %mul3A_73 = arith.constant 640 : i32
    %mul3A_74 = arith.muli %arg1, %mul3A_73 : i32
    "tpu.region"() ({
      %run_scoped3A = tpu.sem_alloc : memref<!tpu.dma_semaphore, #tpu.memory_space<semaphore_mem>>
      %dma_start3A_75 = arith.constant 0 : i32
      %dma_start3A_76 = tpu.memref_slice %arg5[%arg0, %mul3A_74, %dma_start3A_75] : memref<2x10240x128xf32, #tpu.memory_space<hbm>> -> memref<1x640x128xf32, #tpu.memory_space<hbm>>
      %dma_start3A_77 = tpu.memref_squeeze %dma_start3A_76 : memref<1x640x128xf32, #tpu.memory_space<hbm>> -> memref<640x128xf32, #tpu.memory_space<hbm>>
      %dma_start3A_78 = arith.constant 0 : i32
      %dma_start3A_79 = tpu.memref_slice %arg12[%mul3A_72, %dma_start3A_78] : memref<10240x128xf32, #tpu.memory_space<vmem_shared>> -> memref<640x128xf32, #tpu.memory_space<vmem_shared>>
      tpu.enqueue_dma source(%dma_start3A_79 : memref<640x128xf32, #tpu.memory_space<vmem_shared>>) target(%dma_start3A_77 : memref<640x128xf32, #tpu.memory_space<hbm>>) target_semaphore(%run_scoped3A : memref<!tpu.dma_semaphore, #tpu.memory_space<semaphore_mem>>)
      %dma_wait3A_80 = arith.constant 0 : i32
      %dma_wait3A_81 = tpu.memref_slice %arg5[%arg0, %mul3A_74, %dma_wait3A_80] : memref<2x10240x128xf32, #tpu.memory_space<hbm>> -> memref<1x640x128xf32, #tpu.memory_space<hbm>>
      %dma_wait3A_82 = tpu.memref_squeeze %dma_wait3A_81 : memref<1x640x128xf32, #tpu.memory_space<hbm>> -> memref<640x128xf32, #tpu.memory_space<hbm>>
      %dma_wait3A_83 = arith.constant 0 : i32
      %dma_wait3A_84 = tpu.memref_slice %arg12[%mul3A_72, %dma_wait3A_83] : memref<10240x128xf32, #tpu.memory_space<vmem_shared>> -> memref<640x128xf32, #tpu.memory_space<vmem_shared>>
      tpu.wait_dma2 semaphore(%run_scoped3A : memref<!tpu.dma_semaphore, #tpu.memory_space<semaphore_mem>>) src(%dma_wait3A_84 : memref<640x128xf32, #tpu.memory_space<vmem_shared>>) dst(%dma_wait3A_82 : memref<640x128xf32, #tpu.memory_space<hbm>>)
      tpu.yield
    }) : () -> ()
    return
  }
}

module attributes {stable_mosaic.version = 14 : i64} {
  func.func @_prep_body(%arg0: i32, %arg1: memref<1000x128xf32, #tpu.memory_space<vmem>>, %arg2: memref<128x128xf32, #tpu.memory_space<vmem>>, %arg3: memref<2x1000x1xf32, #tpu.memory_space<vmem>>, %arg4: memref<1000x128xf32, #tpu.memory_space<vmem>>, %arg5: memref<1000x1xf32, #tpu.memory_space<vmem>>) attributes {dimension_semantics = [#tpu.dimension_semantics<arbitrary>], iteration_bounds = array<i64: 10>, scalar_prefetch = 0 : i64, scratch_operands = 0 : i64, tpu.core_type = #tpu.core_type<tc>, window_params = [{transform_indices = @transform_0, window_bounds = array<i64: 1000, 128>}, {pipeline_mode = #tpu.pipeline_mode<synchronous>, transform_indices = @transform_1, window_bounds = array<i64: 128, 128>}, {transform_indices = @transform_2, window_bounds = array<i64: 2, 1000, 1>}, {transform_indices = @transform_3, window_bounds = array<i64: 1000, 128>}, {transform_indices = @transform_4, window_bounds = array<i64: 1000, 1>}]} {
    %get3A = arith.constant 0 : index
    %get3A_0 = arith.constant 0 : index
    %get3A_1 = arith.constant 0 : index
    %get3A_2 = vector.load %arg3[%get3A, %get3A_0, %get3A_1] : memref<2x1000x1xf32, #tpu.memory_space<vmem>>, vector<1x1000x1xf32>
    %get3A_3 = vector.shape_cast %get3A_2 : vector<1x1000x1xf32> to vector<1000x1xf32>
    %get3A_4 = arith.constant 1 : index
    %get3A_5 = arith.constant 0 : index
    %get3A_6 = arith.constant 0 : index
    %get3A_7 = vector.load %arg3[%get3A_4, %get3A_5, %get3A_6] : memref<2x1000x1xf32, #tpu.memory_space<vmem>>, vector<1x1000x1xf32>
    %get3A_8 = vector.shape_cast %get3A_7 : vector<1x1000x1xf32> to vector<1000x1xf32>
    %add3A = arith.addf %get3A_3, %get3A_8 : vector<1000x1xf32>
    %add3A_9 = arith.constant 1.000000e+00 : f32
    %add3A_10 = vector.broadcast %add3A_9 : f32 to vector<1000x1xf32>
    %add3A_11 = arith.addf %add3A, %add3A_10 : vector<1000x1xf32>
    %rsqrt3A = math.rsqrt %add3A_11 : vector<1000x1xf32>
    %swap3A = arith.constant 0 : index
    %swap3A_12 = arith.constant 0 : index
    %swap3A_13 = vector.load %arg5[%swap3A, %swap3A_12] : memref<1000x1xf32, #tpu.memory_space<vmem>>, vector<1000x1xf32>
    tpu.vector_store %arg5[%swap3A, %swap3A_12], %rsqrt3A {strides = array<i32>} : memref<1000x1xf32, #tpu.memory_space<vmem>>, vector<1000x1xf32>,
    %get3A_14 = arith.constant 0 : index
    %get3A_15 = arith.constant 0 : index
    %get3A_16 = vector.load %arg1[%get3A_14, %get3A_15] : memref<1000x128xf32, #tpu.memory_space<vmem>>, vector<1000x128xf32>
    %get3A_17 = arith.constant 0 : index
    %get3A_18 = arith.constant 0 : index
    %get3A_19 = vector.load %arg2[%get3A_17, %get3A_18] : memref<128x128xf32, #tpu.memory_space<vmem>>, vector<128x128xf32>
    %dot_general3A = arith.constant dense<0.000000e+00> : vector<1000x128xf32>
    %dot_general3A_20 = tpu.matmul %get3A_16, %get3A_19, %dot_general3A {dimension_numbers = #tpu.dot_dimension_numbers<[1], [0], [0], [1], [0, 0, 1, 1], [], []>, transpose_lhs_hint = false} : vector<1000x128xf32>, vector<128x128xf32>, vector<1000x128xf32> -> vector<1000x128xf32>
    %mul3A = vector.broadcast %rsqrt3A : vector<1000x1xf32> to vector<1000x128xf32>
    %mul3A_21 = arith.mulf %dot_general3A_20, %mul3A : vector<1000x128xf32>
    %swap3A_22 = arith.constant 0 : index
    %swap3A_23 = arith.constant 0 : index
    %swap3A_24 = vector.load %arg4[%swap3A_22, %swap3A_23] : memref<1000x128xf32, #tpu.memory_space<vmem>>, vector<1000x128xf32>
    tpu.vector_store %arg4[%swap3A_22, %swap3A_23], %mul3A_21 {strides = array<i32>} : memref<1000x128xf32, #tpu.memory_space<vmem>>, vector<1000x128xf32>,
    return
  }
  func.func @transform_0(%arg0: i32) -> (i32, i32) {
    %c0_i32 = arith.constant 0 : i32
    %c0_i32_0 = arith.constant 0 : i32
    return %arg0, %c0_i32 : i32, i32
  }
  func.func @transform_1(%arg0: i32) -> (i32, i32) {
    %c0_i32 = arith.constant 0 : i32
    %c0_i32_0 = arith.constant 0 : i32
    %c0_i32_1 = arith.constant 0 : i32
    return %c0_i32, %c0_i32_0 : i32, i32
  }
  func.func @transform_2(%arg0: i32) -> (i32, i32, i32) {
    %c0_i32 = arith.constant 0 : i32
    %c0_i32_0 = arith.constant 0 : i32
    %c0_i32_1 = arith.constant 0 : i32
    return %c0_i32, %arg0, %c0_i32_0 : i32, i32, i32
  }
  func.func @transform_3(%arg0: i32) -> (i32, i32) {
    %c0_i32 = arith.constant 0 : i32
    %c0_i32_0 = arith.constant 0 : i32
    return %arg0, %c0_i32 : i32, i32
  }
  func.func @transform_4(%arg0: i32) -> (i32, i32) {
    %c0_i32 = arith.constant 0 : i32
    %c0_i32_0 = arith.constant 0 : i32
    return %arg0, %c0_i32 : i32, i32
  }
}

module attributes {stable_mosaic.version = 14 : i64} {
  func.func @_mega_body(%arg0: i32, %arg1: i32, %arg2: memref<1000x128xf32, #tpu.memory_space<vmem>>, %arg3: memref<2x1000x128xf32, #tpu.memory_space<vmem>>, %arg4: memref<1000x128xf32, #tpu.memory_space<vmem>>, %arg5: memref<1000x1xf32, #tpu.memory_space<vmem>>, %arg6: memref<8x128xf32, #tpu.memory_space<vmem>>, %arg7: memref<512x128xf32, #tpu.memory_space<vmem>>, %arg8: memref<8x512xf32, #tpu.memory_space<vmem>>, %arg9: memref<128x512xf32, #tpu.memory_space<vmem>>, %arg10: memref<8x128xf32, #tpu.memory_space<vmem>>, %arg11: memref<8x128xf32, #tpu.memory_space<vmem>>, %arg12: memref<8x128xf32, #tpu.memory_space<vmem>>, %arg13: memref<1000x128xf32, #tpu.memory_space<vmem>>, %arg14: memref<10000x128xf32, #tpu.memory_space<vmem>>, %arg15: memref<10000x128xf32, #tpu.memory_space<vmem>>, %arg16: memref<8x128xf32, #tpu.memory_space<vmem>>, %arg17: memref<8x128xf32, #tpu.memory_space<vmem>>) attributes {dimension_semantics = [#tpu.dimension_semantics<arbitrary>, #tpu.dimension_semantics<arbitrary>], iteration_bounds = array<i64: 3, 10>, scalar_prefetch = 0 : i64, scratch_operands = 4 : i64, tpu.core_type = #tpu.core_type<tc>, window_params = [{transform_indices = @transform_0, window_bounds = array<i64: 1000, 128>}, {transform_indices = @transform_1, window_bounds = array<i64: 2, 1000, 128>}, {transform_indices = @transform_2, window_bounds = array<i64: 1000, 128>}, {transform_indices = @transform_3, window_bounds = array<i64: 1000, 1>}, {pipeline_mode = #tpu.pipeline_mode<synchronous>, transform_indices = @transform_4, window_bounds = array<i64: 8, 128>}, {pipeline_mode = #tpu.pipeline_mode<synchronous>, transform_indices = @transform_5, window_bounds = array<i64: 512, 128>}, {pipeline_mode = #tpu.pipeline_mode<synchronous>, transform_indices = @transform_6, window_bounds = array<i64: 8, 512>}, {pipeline_mode = #tpu.pipeline_mode<synchronous>, transform_indices = @transform_7, window_bounds = array<i64: 128, 512>}, {pipeline_mode = #tpu.pipeline_mode<synchronous>, transform_indices = @transform_8, window_bounds = array<i64: 8, 128>}, {pipeline_mode = #tpu.pipeline_mode<synchronous>, transform_indices = @transform_9, window_bounds = array<i64: 8, 128>}, {pipeline_mode = #tpu.pipeline_mode<synchronous>, transform_indices = @transform_10, window_bounds = array<i64: 8, 128>}, {transform_indices = @transform_11, window_bounds = array<i64: 1000, 128>}]} {
    %mul3A = arith.constant 1000 : i32
    %mul3A_0 = arith.muli %arg1, %mul3A : i32
    %eq3A = arith.constant 0 : i32
    %eq3A_1 = arith.cmpi eq, %arg0, %eq3A : i32
    %eq3A_2 = arith.constant 0 : i32
    %eq3A_3 = arith.cmpi eq, %arg1, %eq3A_2 : i32
    %and3A = arith.andi %eq3A_1, %eq3A_3 : i1
    %convert_element_type3A = arith.extui %and3A : i1 to i32
    %cond3A = arith.constant 0 : i32
    %cond3A_4 = arith.cmpi ne, %convert_element_type3A, %cond3A : i32
    scf.if %cond3A_4 {
      %broadcast_in_dim3A = arith.constant 0.000000e+00 : f32
      %broadcast_in_dim3A_20 = vector.broadcast %broadcast_in_dim3A : f32 to vector<8x128xf32>
      %swap3A = arith.constant 0 : index
      %swap3A_21 = arith.constant 0 : index
      %swap3A_22 = vector.load %arg16[%swap3A, %swap3A_21] : memref<8x128xf32, #tpu.memory_space<vmem>>, vector<8x128xf32>
      tpu.vector_store %arg16[%swap3A, %swap3A_21], %broadcast_in_dim3A_20 {strides = array<i32>} : memref<8x128xf32, #tpu.memory_space<vmem>>, vector<8x128xf32>,
      %broadcast_in_dim3A_23 = arith.constant 0.000000e+00 : f32
      %broadcast_in_dim3A_24 = vector.broadcast %broadcast_in_dim3A_23 : f32 to vector<8x128xf32>
      %swap3A_25 = arith.constant 0 : index
      %swap3A_26 = arith.constant 0 : index
      %swap3A_27 = vector.load %arg17[%swap3A_25, %swap3A_26] : memref<8x128xf32, #tpu.memory_space<vmem>>, vector<8x128xf32>
      tpu.vector_store %arg17[%swap3A_25, %swap3A_26], %broadcast_in_dim3A_24 {strides = array<i32>} : memref<8x128xf32, #tpu.memory_space<vmem>>, vector<8x128xf32>,
    } else {
    }
    %eq3A_5 = arith.constant 0 : i32
    %eq3A_6 = arith.cmpi eq, %arg0, %eq3A_5 : i32
    %convert_element_type3A_7 = arith.extui %eq3A_6 : i1 to i32
    %cond3A_8 = arith.constant 0 : i32
    %cond3A_9 = arith.cmpi ne, %convert_element_type3A_7, %cond3A_8 : i32
    scf.if %cond3A_9 {
      %get3A = arith.constant 0 : index
      %get3A_20 = arith.constant 0 : index
      %get3A_21 = vector.load %arg5[%get3A, %get3A_20] : memref<1000x1xf32, #tpu.memory_space<vmem>>, vector<1000x1xf32>
      %get3A_22 = arith.constant 0 : index
      %get3A_23 = arith.constant 0 : index
      %get3A_24 = arith.constant 0 : index
      %get3A_25 = vector.load %arg3[%get3A_22, %get3A_23, %get3A_24] : memref<2x1000x128xf32, #tpu.memory_space<vmem>>, vector<1x1000x128xf32>
      %get3A_26 = vector.shape_cast %get3A_25 : vector<1x1000x128xf32> to vector<1000x128xf32>
      %get3A_27 = arith.constant 1 : index
      %get3A_28 = arith.constant 0 : index
      %get3A_29 = arith.constant 0 : index
      %get3A_30 = vector.load %arg3[%get3A_27, %get3A_28, %get3A_29] : memref<2x1000x128xf32, #tpu.memory_space<vmem>>, vector<1x1000x128xf32>
      %get3A_31 = vector.shape_cast %get3A_30 : vector<1x1000x128xf32> to vector<1000x128xf32>
      %add3A = arith.addf %get3A_26, %get3A_31 : vector<1000x128xf32>
      %get3A_32 = arith.constant 0 : index
      %get3A_33 = arith.constant 0 : index
      %get3A_34 = vector.load %arg4[%get3A_32, %get3A_33] : memref<1000x128xf32, #tpu.memory_space<vmem>>, vector<1000x128xf32>
      %add3A_35 = arith.addf %add3A, %get3A_34 : vector<1000x128xf32>
      %mul3A_36 = vector.broadcast %get3A_21 : vector<1000x1xf32> to vector<1000x128xf32>
      %mul3A_37 = arith.mulf %mul3A_36, %add3A_35 : vector<1000x128xf32>
      %get3A_38 = arith.constant 0 : index
      %get3A_39 = arith.constant 0 : index
      %get3A_40 = vector.load %arg2[%get3A_38, %get3A_39] : memref<1000x128xf32, #tpu.memory_space<vmem>>, vector<1000x128xf32>
      %add3A_41 = arith.addf %get3A_40, %mul3A_37 : vector<1000x128xf32>
      %get3A_42 = arith.constant 0 : index
      %get3A_43 = arith.constant 0 : index
      %get3A_44 = vector.load %arg6[%get3A_42, %get3A_43] : memref<8x128xf32, #tpu.memory_space<vmem>>, vector<1x128xf32>
      %add3A_45 = vector.broadcast %get3A_44 : vector<1x128xf32> to vector<1000x128xf32>
      %add3A_46 = arith.addf %add3A_41, %add3A_45 : vector<1000x128xf32>
      %swap3A = arith.index_cast %mul3A_0 : i32 to index
      %swap3A_47 = arith.constant 0 : index
      %swap3A_48 = vector.load %arg14[%swap3A, %swap3A_47] : memref<10000x128xf32, #tpu.memory_space<vmem>>, vector<1000x128xf32>
      tpu.vector_store %arg14[%swap3A, %swap3A_47], %add3A_46 {strides = array<i32>} : memref<10000x128xf32, #tpu.memory_space<vmem>>, vector<1000x128xf32>,
      %get3A_49 = arith.constant 0 : index
      %get3A_50 = arith.constant 0 : index
      %get3A_51 = vector.load %arg16[%get3A_49, %get3A_50] : memref<8x128xf32, #tpu.memory_space<vmem>>, vector<1x128xf32>
      %reduce_sum3A = arith.constant dense<0.000000e+00> : vector<128xf32>
      %reduce_sum3A_52 = vector.multi_reduction <add>, %add3A_46, %reduce_sum3A [0] : vector<1000x128xf32> to vector<128xf32>
      %broadcast_in_dim3A = vector.shape_cast %reduce_sum3A_52 : vector<128xf32> to vector<1x128xf32>
      %add3A_53 = arith.addf %get3A_51, %broadcast_in_dim3A : vector<1x128xf32>
      %swap3A_54 = arith.constant 0 : index
      %swap3A_55 = arith.constant 0 : index
      %swap3A_56 = vector.load %arg16[%swap3A_54, %swap3A_55] : memref<8x128xf32, #tpu.memory_space<vmem>>, vector<1x128xf32>
      tpu.vector_store %arg16[%swap3A_54, %swap3A_55], %add3A_53 {strides = array<i32>} : memref<8x128xf32, #tpu.memory_space<vmem>>, vector<1x128xf32>,
      %get3A_57 = arith.constant 1 : index
      %get3A_58 = arith.constant 0 : index
      %get3A_59 = vector.load %arg16[%get3A_57, %get3A_58] : memref<8x128xf32, #tpu.memory_space<vmem>>, vector<1x128xf32>
      %mul3A_60 = arith.mulf %add3A_46, %add3A_46 : vector<1000x128xf32>
      %reduce_sum3A_61 = arith.constant dense<0.000000e+00> : vector<128xf32>
      %reduce_sum3A_62 = vector.multi_reduction <add>, %mul3A_60, %reduce_sum3A_61 [0] : vector<1000x128xf32> to vector<128xf32>
      %broadcast_in_dim3A_63 = vector.shape_cast %reduce_sum3A_62 : vector<128xf32> to vector<1x128xf32>
      %add3A_64 = arith.addf %get3A_59, %broadcast_in_dim3A_63 : vector<1x128xf32>
      %swap3A_65 = arith.constant 1 : index
      %swap3A_66 = arith.constant 0 : index
      %swap3A_67 = vector.load %arg16[%swap3A_65, %swap3A_66] : memref<8x128xf32, #tpu.memory_space<vmem>>, vector<1x128xf32>
      tpu.vector_store %arg16[%swap3A_65, %swap3A_66], %add3A_64 {strides = array<i32>} : memref<8x128xf32, #tpu.memory_space<vmem>>, vector<1x128xf32>,
    } else {
    }
    %eq3A_10 = arith.constant 1 : i32
    %eq3A_11 = arith.cmpi eq, %arg0, %eq3A_10 : i32
    %convert_element_type3A_12 = arith.extui %eq3A_11 : i1 to i32
    %cond3A_13 = arith.constant 0 : i32
    %cond3A_14 = arith.cmpi ne, %convert_element_type3A_12, %cond3A_13 : i32
    scf.if %cond3A_14 {
      %get3A = arith.constant 0 : index
      %get3A_20 = arith.constant 0 : index
      %get3A_21 = vector.load %arg16[%get3A, %get3A_20] : memref<8x128xf32, #tpu.memory_space<vmem>>, vector<1x128xf32>
      %div3A = arith.constant 1.000000e+04 : f32
      %div3A_22 = vector.broadcast %div3A : f32 to vector<1x128xf32>
      %div3A_23 = arith.divf %get3A_21, %div3A_22 : vector<1x128xf32>
      %get3A_24 = arith.constant 1 : index
      %get3A_25 = arith.constant 0 : index
      %get3A_26 = vector.load %arg16[%get3A_24, %get3A_25] : memref<8x128xf32, #tpu.memory_space<vmem>>, vector<1x128xf32>
      %div3A_27 = arith.constant 1.000000e+04 : f32
      %div3A_28 = vector.broadcast %div3A_27 : f32 to vector<1x128xf32>
      %div3A_29 = arith.divf %get3A_26, %div3A_28 : vector<1x128xf32>
      %mul3A_30 = arith.mulf %div3A_23, %div3A_23 : vector<1x128xf32>
      %sub3A = arith.subf %div3A_29, %mul3A_30 : vector<1x128xf32>
      %get3A_31 = arith.constant 0 : index
      %get3A_32 = arith.constant 0 : index
      %get3A_33 = vector.load %arg11[%get3A_31, %get3A_32] : memref<8x128xf32, #tpu.memory_space<vmem>>, vector<1x128xf32>
      %add3A = arith.constant 9.99999974E-6 : f32
      %add3A_34 = vector.broadcast %add3A : f32 to vector<1x128xf32>
      %add3A_35 = arith.addf %sub3A, %add3A_34 : vector<1x128xf32>
      %rsqrt3A = math.rsqrt %add3A_35 : vector<1x128xf32>
      %mul3A_36 = arith.mulf %get3A_33, %rsqrt3A : vector<1x128xf32>
      %get3A_37 = arith.constant 0 : index
      %get3A_38 = arith.constant 0 : index
      %get3A_39 = vector.load %arg12[%get3A_37, %get3A_38] : memref<8x128xf32, #tpu.memory_space<vmem>>, vector<1x128xf32>
      %mul3A_40 = arith.mulf %div3A_23, %mul3A_36 : vector<1x128xf32>
      %sub3A_41 = arith.subf %get3A_39, %mul3A_40 : vector<1x128xf32>
      %get3A_42 = arith.index_cast %mul3A_0 : i32 to index
      %get3A_43 = arith.constant 0 : index
      %get3A_44 = vector.load %arg14[%get3A_42, %get3A_43] : memref<10000x128xf32, #tpu.memory_space<vmem>>, vector<1000x128xf32>
      %mul3A_45 = vector.broadcast %mul3A_36 : vector<1x128xf32> to vector<1000x128xf32>
      %mul3A_46 = arith.mulf %get3A_44, %mul3A_45 : vector<1000x128xf32>
      %add3A_47 = vector.broadcast %sub3A_41 : vector<1x128xf32> to vector<1000x128xf32>
      %add3A_48 = arith.addf %mul3A_46, %add3A_47 : vector<1000x128xf32>
      %get3A_49 = arith.constant 0 : index
      %get3A_50 = arith.constant 0 : index
      %get3A_51 = vector.load %arg7[%get3A_49, %get3A_50] : memref<512x128xf32, #tpu.memory_space<vmem>>, vector<512x128xf32>
      %dot_general3A = arith.constant dense<0.000000e+00> : vector<1000x512xf32>
      %dot_general3A_52 = tpu.matmul %add3A_48, %get3A_51, %dot_general3A {dimension_numbers = #tpu.dot_dimension_numbers<[1], [1], [0], [0], [0, 0, 1, 0], [], []>, transpose_lhs_hint = false} : vector<1000x128xf32>, vector<512x128xf32>, vector<1000x512xf32> -> vector<1000x512xf32>
      %get3A_53 = arith.constant 0 : index
      %get3A_54 = arith.constant 0 : index
      %get3A_55 = vector.load %arg8[%get3A_53, %get3A_54] : memref<8x512xf32, #tpu.memory_space<vmem>>, vector<1x512xf32>
      %add3A_56 = vector.broadcast %get3A_55 : vector<1x512xf32> to vector<1000x512xf32>
      %add3A_57 = arith.addf %dot_general3A_52, %add3A_56 : vector<1000x512xf32>
      %max3A = arith.constant 0.000000e+00 : f32
      %max3A_58 = vector.broadcast %max3A : f32 to vector<1000x512xf32>
      %max3A_59 = arith.maximumf %add3A_57, %max3A_58 : vector<1000x512xf32>
      %get3A_60 = arith.constant 0 : index
      %get3A_61 = arith.constant 0 : index
      %get3A_62 = vector.load %arg9[%get3A_60, %get3A_61] : memref<128x512xf32, #tpu.memory_space<vmem>>, vector<128x512xf32>
      %dot_general3A_63 = arith.constant dense<0.000000e+00> : vector<1000x128xf32>
      %dot_general3A_64 = tpu.matmul %max3A_59, %get3A_62, %dot_general3A_63 {dimension_numbers = #tpu.dot_dimension_numbers<[1], [1], [0], [0], [0, 0, 1, 0], [], []>, transpose_lhs_hint = false} : vector<1000x512xf32>, vector<128x512xf32>, vector<1000x128xf32> -> vector<1000x128xf32>
      %add3A_65 = arith.addf %add3A_48, %dot_general3A_64 : vector<1000x128xf32>
      %get3A_66 = arith.constant 0 : index
      %get3A_67 = arith.constant 0 : index
      %get3A_68 = vector.load %arg10[%get3A_66, %get3A_67] : memref<8x128xf32, #tpu.memory_space<vmem>>, vector<1x128xf32>
      %add3A_69 = vector.broadcast %get3A_68 : vector<1x128xf32> to vector<1000x128xf32>
      %add3A_70 = arith.addf %add3A_65, %add3A_69 : vector<1000x128xf32>
      %swap3A = arith.index_cast %mul3A_0 : i32 to index
      %swap3A_71 = arith.constant 0 : index
      %swap3A_72 = vector.load %arg15[%swap3A, %swap3A_71] : memref<10000x128xf32, #tpu.memory_space<vmem>>, vector<1000x128xf32>
      tpu.vector_store %arg15[%swap3A, %swap3A_71], %add3A_70 {strides = array<i32>} : memref<10000x128xf32, #tpu.memory_space<vmem>>, vector<1000x128xf32>,
      %get3A_73 = arith.constant 0 : index
      %get3A_74 = arith.constant 0 : index
      %get3A_75 = vector.load %arg17[%get3A_73, %get3A_74] : memref<8x128xf32, #tpu.memory_space<vmem>>, vector<1x128xf32>
      %reduce_sum3A = arith.constant dense<0.000000e+00> : vector<128xf32>
      %reduce_sum3A_76 = vector.multi_reduction <add>, %add3A_70, %reduce_sum3A [0] : vector<1000x128xf32> to vector<128xf32>
      %broadcast_in_dim3A = vector.shape_cast %reduce_sum3A_76 : vector<128xf32> to vector<1x128xf32>
      %add3A_77 = arith.addf %get3A_75, %broadcast_in_dim3A : vector<1x128xf32>
      %swap3A_78 = arith.constant 0 : index
      %swap3A_79 = arith.constant 0 : index
      %swap3A_80 = vector.load %arg17[%swap3A_78, %swap3A_79] : memref<8x128xf32, #tpu.memory_space<vmem>>, vector<1x128xf32>
      tpu.vector_store %arg17[%swap3A_78, %swap3A_79], %add3A_77 {strides = array<i32>} : memref<8x128xf32, #tpu.memory_space<vmem>>, vector<1x128xf32>,
      %get3A_81 = arith.constant 1 : index
      %get3A_82 = arith.constant 0 : index
      %get3A_83 = vector.load %arg17[%get3A_81, %get3A_82] : memref<8x128xf32, #tpu.memory_space<vmem>>, vector<1x128xf32>
      %mul3A_84 = arith.mulf %add3A_70, %add3A_70 : vector<1000x128xf32>
      %reduce_sum3A_85 = arith.constant dense<0.000000e+00> : vector<128xf32>
      %reduce_sum3A_86 = vector.multi_reduction <add>, %mul3A_84, %reduce_sum3A_85 [0] : vector<1000x128xf32> to vector<128xf32>
      %broadcast_in_dim3A_87 = vector.shape_cast %reduce_sum3A_86 : vector<128xf32> to vector<1x128xf32>
      %add3A_88 = arith.addf %get3A_83, %broadcast_in_dim3A_87 : vector<1x128xf32>
      %swap3A_89 = arith.constant 1 : index
      %swap3A_90 = arith.constant 0 : index
      %swap3A_91 = vector.load %arg17[%swap3A_89, %swap3A_90] : memref<8x128xf32, #tpu.memory_space<vmem>>, vector<1x128xf32>
      tpu.vector_store %arg17[%swap3A_89, %swap3A_90], %add3A_88 {strides = array<i32>} : memref<8x128xf32, #tpu.memory_space<vmem>>, vector<1x128xf32>,
    } else {
    }
    %eq3A_15 = arith.constant 2 : i32
    %eq3A_16 = arith.cmpi eq, %arg0, %eq3A_15 : i32
    %convert_element_type3A_17 = arith.extui %eq3A_16 : i1 to i32
    %cond3A_18 = arith.constant 0 : i32
    %cond3A_19 = arith.cmpi ne, %convert_element_type3A_17, %cond3A_18 : i32
    scf.if %cond3A_19 {
      %get3A = arith.constant 0 : index
      %get3A_20 = arith.constant 0 : index
      %get3A_21 = vector.load %arg17[%get3A, %get3A_20] : memref<8x128xf32, #tpu.memory_space<vmem>>, vector<1x128xf32>
      %div3A = arith.constant 1.000000e+04 : f32
      %div3A_22 = vector.broadcast %div3A : f32 to vector<1x128xf32>
      %div3A_23 = arith.divf %get3A_21, %div3A_22 : vector<1x128xf32>
      %get3A_24 = arith.constant 1 : index
      %get3A_25 = arith.constant 0 : index
      %get3A_26 = vector.load %arg17[%get3A_24, %get3A_25] : memref<8x128xf32, #tpu.memory_space<vmem>>, vector<1x128xf32>
      %div3A_27 = arith.constant 1.000000e+04 : f32
      %div3A_28 = vector.broadcast %div3A_27 : f32 to vector<1x128xf32>
      %div3A_29 = arith.divf %get3A_26, %div3A_28 : vector<1x128xf32>
      %mul3A_30 = arith.mulf %div3A_23, %div3A_23 : vector<1x128xf32>
      %sub3A = arith.subf %div3A_29, %mul3A_30 : vector<1x128xf32>
      %get3A_31 = arith.constant 0 : index
      %get3A_32 = arith.constant 0 : index
      %get3A_33 = vector.load %arg11[%get3A_31, %get3A_32] : memref<8x128xf32, #tpu.memory_space<vmem>>, vector<1x128xf32>
      %add3A = arith.constant 9.99999974E-6 : f32
      %add3A_34 = vector.broadcast %add3A : f32 to vector<1x128xf32>
      %add3A_35 = arith.addf %sub3A, %add3A_34 : vector<1x128xf32>
      %rsqrt3A = math.rsqrt %add3A_35 : vector<1x128xf32>
      %mul3A_36 = arith.mulf %get3A_33, %rsqrt3A : vector<1x128xf32>
      %get3A_37 = arith.constant 0 : index
      %get3A_38 = arith.constant 0 : index
      %get3A_39 = vector.load %arg12[%get3A_37, %get3A_38] : memref<8x128xf32, #tpu.memory_space<vmem>>, vector<1x128xf32>
      %mul3A_40 = arith.mulf %div3A_23, %mul3A_36 : vector<1x128xf32>
      %sub3A_41 = arith.subf %get3A_39, %mul3A_40 : vector<1x128xf32>
      %get3A_42 = arith.index_cast %mul3A_0 : i32 to index
      %get3A_43 = arith.constant 0 : index
      %get3A_44 = vector.load %arg15[%get3A_42, %get3A_43] : memref<10000x128xf32, #tpu.memory_space<vmem>>, vector<1000x128xf32>
      %mul3A_45 = vector.broadcast %mul3A_36 : vector<1x128xf32> to vector<1000x128xf32>
      %mul3A_46 = arith.mulf %get3A_44, %mul3A_45 : vector<1000x128xf32>
      %add3A_47 = vector.broadcast %sub3A_41 : vector<1x128xf32> to vector<1000x128xf32>
      %add3A_48 = arith.addf %mul3A_46, %add3A_47 : vector<1000x128xf32>
      %swap3A = arith.constant 0 : index
      %swap3A_49 = arith.constant 0 : index
      %swap3A_50 = vector.load %arg13[%swap3A, %swap3A_49] : memref<1000x128xf32, #tpu.memory_space<vmem>>, vector<1000x128xf32>
      tpu.vector_store %arg13[%swap3A, %swap3A_49], %add3A_48 {strides = array<i32>} : memref<1000x128xf32, #tpu.memory_space<vmem>>, vector<1000x128xf32>,
    } else {
    }
    return
  }
  func.func @transform_0(%arg0: i32, %arg1: i32) -> (i32, i32) {
    %eq3A = arith.constant 0 : i32
    %eq3A_0 = arith.cmpi eq, %arg0, %eq3A : i32
    %jit3A = arith.constant 0 : i32
    %select_n3A = arith.select %eq3A_0, %arg1, %jit3A : i32
    %c0_i32 = arith.constant 0 : i32
    %c0_i32_1 = arith.constant 0 : i32
    return %select_n3A, %c0_i32 : i32, i32
  }
  func.func @transform_1(%arg0: i32, %arg1: i32) -> (i32, i32, i32) {
    %eq3A = arith.constant 0 : i32
    %eq3A_0 = arith.cmpi eq, %arg0, %eq3A : i32
    %jit3A = arith.constant 0 : i32
    %select_n3A = arith.select %eq3A_0, %arg1, %jit3A : i32
    %c0_i32 = arith.constant 0 : i32
    %c0_i32_1 = arith.constant 0 : i32
    %c0_i32_2 = arith.constant 0 : i32
    return %c0_i32, %select_n3A, %c0_i32_1 : i32, i32, i32
  }
  func.func @transform_2(%arg0: i32, %arg1: i32) -> (i32, i32) {
    %eq3A = arith.constant 0 : i32
    %eq3A_0 = arith.cmpi eq, %arg0, %eq3A : i32
    %jit3A = arith.constant 0 : i32
    %select_n3A = arith.select %eq3A_0, %arg1, %jit3A : i32
    %c0_i32 = arith.constant 0 : i32
    %c0_i32_1 = arith.constant 0 : i32
    return %select_n3A, %c0_i32 : i32, i32
  }
  func.func @transform_3(%arg0: i32, %arg1: i32) -> (i32, i32) {
    %eq3A = arith.constant 0 : i32
    %eq3A_0 = arith.cmpi eq, %arg0, %eq3A : i32
    %jit3A = arith.constant 0 : i32
    %select_n3A = arith.select %eq3A_0, %arg1, %jit3A : i32
    %c0_i32 = arith.constant 0 : i32
    %c0_i32_1 = arith.constant 0 : i32
    return %select_n3A, %c0_i32 : i32, i32
  }
  func.func @transform_4(%arg0: i32, %arg1: i32) -> (i32, i32) {
    %c0_i32 = arith.constant 0 : i32
    %c0_i32_0 = arith.constant 0 : i32
    %c0_i32_1 = arith.constant 0 : i32
    return %c0_i32, %c0_i32_0 : i32, i32
  }
  func.func @transform_5(%arg0: i32, %arg1: i32) -> (i32, i32) {
    %c0_i32 = arith.constant 0 : i32
    %c0_i32_0 = arith.constant 0 : i32
    %c0_i32_1 = arith.constant 0 : i32
    return %c0_i32, %c0_i32_0 : i32, i32
  }
  func.func @transform_6(%arg0: i32, %arg1: i32) -> (i32, i32) {
    %c0_i32 = arith.constant 0 : i32
    %c0_i32_0 = arith.constant 0 : i32
    %c0_i32_1 = arith.constant 0 : i32
    return %c0_i32, %c0_i32_0 : i32, i32
  }
  func.func @transform_7(%arg0: i32, %arg1: i32) -> (i32, i32) {
    %c0_i32 = arith.constant 0 : i32
    %c0_i32_0 = arith.constant 0 : i32
    %c0_i32_1 = arith.constant 0 : i32
    return %c0_i32, %c0_i32_0 : i32, i32
  }
  func.func @transform_8(%arg0: i32, %arg1: i32) -> (i32, i32) {
    %c0_i32 = arith.constant 0 : i32
    %c0_i32_0 = arith.constant 0 : i32
    %c0_i32_1 = arith.constant 0 : i32
    return %c0_i32, %c0_i32_0 : i32, i32
  }
  func.func @transform_9(%arg0: i32, %arg1: i32) -> (i32, i32) {
    %c0_i32 = arith.constant 0 : i32
    %c0_i32_0 = arith.constant 0 : i32
    %c0_i32_1 = arith.constant 0 : i32
    return %c0_i32, %c0_i32_0 : i32, i32
  }
  func.func @transform_10(%arg0: i32, %arg1: i32) -> (i32, i32) {
    %c0_i32 = arith.constant 0 : i32
    %c0_i32_0 = arith.constant 0 : i32
    %c0_i32_1 = arith.constant 0 : i32
    return %c0_i32, %c0_i32_0 : i32, i32
  }
  func.func @transform_11(%arg0: i32, %arg1: i32) -> (i32, i32) {
    %eq3A = arith.constant 2 : i32
    %eq3A_0 = arith.cmpi eq, %arg0, %eq3A : i32
    %jit3A = arith.constant 0 : i32
    %select_n3A = arith.select %eq3A_0, %arg1, %jit3A : i32
    %c0_i32 = arith.constant 0 : i32
    %c0_i32_1 = arith.constant 0 : i32
    return %select_n3A, %c0_i32 : i32, i32
  }
}

</mosaic_0001>

<sc_bundles>
// kernel: kernel.6.cloned.1.call-start
scs
__scs_entry_jumppad:
0x0: {  	(pc) =	sbr.rel $0x88, $3  }
0x1: {  	(tag) =	ssettag $0x0;
	lr =	simm.s32 $0x1  }
0x2: {  	[smem:$0x3F97] =	sst lr;
	_ =	strace $0xD0000000  }
0x3: {  	_ = 	snop  }
0x4: {  	_ = 	snop  }
0x5: {  	_ = 	snop  }
0x6: {  	_ = 	snop  }
0x7: {  	_ = 	snop  }
__scs_overlays_trampoline_lowered:
0x8: {  	[smem:$0x3FA6] =	sst s0  }
0x9: {  	[smem:$0x3FA7] =	sst s1  }
0xa: {  	[smem:$0x3FA8] =	sst s2  }
0xb: {  	[smem:$0x3FA9] =	sst s3  }
0xc: {  	[smem:$0x3FAA] =	sst s4  }
0xd: {  	[smem:$0x3FAB] =	sst s5  }
0xe: {  	[smem:$0x3FAC] =	sst s6  }
0xf: {  	[smem:$0x3FAD] =	sst s7  }
0x10: {  	[smem:$0x3FAE] =	sst s8  }
0x11: {  	[smem:$0x3FAF] =	sst s9;
	s0 =	simm.s32 @!p0 $0x0  }
0x12: {  	s1 =	sld [smem:$0x3F95];
	s0 =	simm.s32 @p0 $0x1  }
0x13: {  	[smem:$0x3FB0] =	sst s0;
	s0 =	simm.s32 @!p1 $0x0  }
0x14: {  	s2 =	sld [smem:$0x3F94];
	s0 =	simm.s32 @p1 $0x1  }
0x15: {  	[smem:$0x3FB1] =	sst s0;
	s0 =	simm.s32 @!p2 $0x0  }
0x16: {  	s3 =	sld [smem:$0x3FDB];
	s0 =	simm.s32 @p2 $0x1  }
0x17: {  	s4 =	simm.s32 $0x1BF5;
	[smem:$0x3FB3] =	sst s0  }
0x18: {  	s0 =	sld [smem:$0x3F96];
	_ =	swait.ge [sflag:s4], $0x0  }
0x19: {  	s7 =	sld [smem:$0x3F97]  }
0x1a: {  	s8 =	sadd.s32 $0xFFFFE003, lr  }
0x1b: {  	s9 =	sadd.s32 $0xFFFFFEF7, lr;
	s5 =	simm.s32 $0xFFFFFFFF;
	p2 =	slt.u32 s8, $0xFFFFF086  }
0x1c: {  	p1 =	slt.u32 s9, $0xF7A;
	s5 =	simm.s32 @!p2 $0x0  }
0x1d: {  	s5 =	simm.s32 @p1 $0x1;
	p0 =	seq.s32 s7, s2  }
0x1e: {  	s7 =	smul.u32 @!p0 $0xF7A, s2;
	p2 =	seq.s32 @!p0 s5, $0x0  }
0x1f: {  	s9 =	smul.u32 $0xF7A, s1;
	s8 =	simm.s32 @!p0 $0x1BF5;
	p2 =	por !p2, p0  }
0x20: {  	[sflag:s8] =	ssyncset.s32 @!p0 $0xFFFFF086;
	s6 =	sadd.s32 @!p0 s3, s7;
	s7 =	simm.s32 @!p0 $0x108  }
0x21: {  	s3 =	sadd.s32 s3, s9;
	s6 =	sadd.s32 @!p0 $0x88, s6;
	s7 =	simm.s32 @p2 $0x1082  }
0x22: {  	[simem:s7], [sflag:s8] =	dma.local @!p0 [hbm:s6], $0xF7A  }
0x23: {  	s9 =	sor.u32 $0xD0000000, s2;
	s6 =	simm.s32 $0x108;
	_ =	swait.ge @!p0 [sflag:s8], $0x0  }
0x24: {  	s3 =	sadd.s32 $0x88, s3;
	s6 =	simm.s32 @!p1 $0x1082;
	[sflag:s4] =	ssyncset.s32 $0xFFFFF086  }
0x25: {  	[simem:s6], [sflag:s4] =	dma.local [hbm:s3], $0xF7A  }
0x26: {  	[smem:$0x3F97] =	sst s1;
	(tag) =	ssettag s2;
	_ =	strace s9  }
0x27: {  	s1 =	sld [smem:$0x3FA7]  }
0x28: {  	s2 =	sld [smem:$0x3FA8]  }
0x29: {  	s4 =	sld [smem:$0x3FAA]  }
0x2a: {  	p0 =	seq.s32 s5, $0x0;
	s5 =	sld [smem:$0x3FAB]  }
0x2b: {  	s6 =	sld [smem:$0x3FAC]  }
0x2c: {  	s7 =	sld [smem:$0x3FAD]  }
0x2d: {  	s3 =	simm.s32 $0x108;
	s8 =	sld [smem:$0x3FAE]  }
0x2e: {  	s3 =	simm.s32 @!p0 $0x1082;
	s9 =	sld [smem:$0x3FAF]  }
0x2f: {  	lr =	sadd.s32 s0, s3;
	s0 =	sld [smem:$0x3FA6]  }
0x30: {  	s3 =	sld [smem:$0x3FA9]  }
0x31: {  	[smem:$0x3FB2] =	sst s10  }
0x32: {  	s10 =	sld [smem:$0x3FB0];
	_ =	sdelay $0x3  }
0x33: {  	p0 =	seq.s32 s10, $0x1;
	s10 =	sld [smem:$0x3FB2];
	_ =	sdelay $0x3  }
0x34: {  	[smem:$0x3FB2] =	sst s10  }
0x35: {  	s10 =	sld [smem:$0x3FB1];
	_ =	sdelay $0x3  }
0x36: {  	p1 =	seq.s32 s10, $0x1;
	s10 =	sld [smem:$0x3FB2];
	_ =	sdelay $0x3  }
0x37: {  	[smem:$0x3FB2] =	sst s10  }
0x38: {  	s10 =	sld [smem:$0x3FB3]  }
0x39: {  	_ = 	snop;
	(pc) =	sbr.ind lr, $3  }
0x3a: {  	_ = 	snop  }
0x3b: {  	_ = 	snop  }
0x3c: {  	p2 =	seq.s32 s10, $0x1;
	s10 =	sld [smem:$0x3FB2]  }
0x3d: {  	_ =	shalt  }
0x3e: {  	_ =	shalt  }
0x3f: {  	_ =	shalt  }
0x40: {  	_ =	shalt  }
0x41: {  	_ =	shalt  }
0x42: {  	_ =	shalt  }
0x43: {  	_ =	shalt  }
0x44: {  	_ =	shalt  }
0x45: {  	_ =	shalt  }
0x46: {  	_ =	shalt  }
0x47: {  	_ =	shalt  }
0x48: {  	_ =	shalt  }
0x49: {  	_ =	shalt  }
0x4a: {  	_ =	shalt  }
0x4b: {  	_ =	shalt  }
0x4c: {  	_ =	shalt  }
0x4d: {  	_ =	shalt  }
0x4e: {  	_ =	shalt  }
0x4f: {  	_ =	shalt  }
0x50: {  	_ =	shalt  }
0x51: {  	_ =	shalt  }
0x52: {  	_ =	shalt  }
0x53: {  	_ =	shalt  }
0x54: {  	_ =	shalt  }
0x55: {  	_ =	shalt  }
0x56: {  	_ =	shalt  }
0x57: {  	_ =	shalt  }
0x58: {  	_ =	shalt  }
0x59: {  	_ =	shalt  }
0x5a: {  	_ =	shalt  }
0x5b: {  	_ =	shalt  }
0x5c: {  	_ =	shalt  }
0x5d: {  	_ =	shalt  }
0x5e: {  	_ =	shalt  }
0x5f: {  	_ =	shalt  }
0x60: {  	_ =	shalt  }
0x61: {  	_ =	shalt  }
0x62: {  	_ =	shalt  }
0x63: {  	_ =	shalt  }
0x64: {  	_ =	shalt  }
0x65: {  	_ =	shalt  }
0x66: {  	_ =	shalt  }
0x67: {  	_ =	shalt  }
0x68: {  	_ =	shalt  }
0x69: {  	_ =	shalt  }
0x6a: {  	_ =	shalt  }
0x6b: {  	_ =	shalt  }
0x6c: {  	_ =	shalt  }
0x6d: {  	_ =	shalt  }
0x6e: {  	_ =	shalt  }
0x6f: {  	_ =	shalt  }
0x70: {  	_ =	shalt  }
0x71: {  	_ =	shalt  }
0x72: {  	_ =	shalt  }
0x73: {  	_ =	shalt  }
0x74: {  	_ =	shalt  }
0x75: {  	_ =	shalt  }
0x76: {  	_ =	shalt  }
0x77: {  	_ =	shalt  }
0x78: {  	_ =	shalt  }
0x79: {  	_ =	shalt  }
0x7a: {  	_ =	shalt  }
0x7b: {  	_ =	shalt  }
0x7c: {  	_ =	shalt  }
0x7d: {  	_ =	shalt  }
0x7e: {  	_ =	shalt  }
0x7f: {  	_ =	shalt  }
0x80: {  	_ =	shalt  }
0x81: {  	_ =	shalt  }
0x82: {  	_ =	shalt  }
0x83: {  	_ =	shalt  }
0x84: {  	_ =	shalt  }
0x85: {  	_ =	shalt  }
0x86: {  	_ =	shalt  }
0x87: {  	_ =	shalt  }
.Lfunc_end0:
.L_simem_size_0:
called_computation_lowered:
.L_overlay_start_0:
0x88: {  	s2 =	sld [smem:$0x3FD9]  }
0x89: {  	s3 =	sld [smem:$0x3FFE];
	_ =	sdelay $0x1  }
0x8a: {  	s1 =	srdreg.scid  }
0x8b: {  	s0 =	sand.u32 $0x1, s1  }
0x8c: {  	s17 =	sshll.u32 s0, $0xA;
	s2 =	sadd.s32 s3, s2  }
0x8d: {  	s2 =	sadd.s32 s2, s17  }
0x8e: {  	[smem:$0x3FBE] =	sst s2  }
0x8f: {  	_ = 	snop  }
0x90: {  	s2 =	sld [smem:$0x3FD0];
	(tm) =	ssettm $0x1  }
0x91: {  	s18 =	sld [smem:$0x3FFB];
	_ =	sdelay $0x3  }
0x92: {  	_ =	strace s18  }
0x93: {  	s3 =	sld [smem:$0x3FFC];
	_ =	sdelay $0x3  }
0x94: {  	_ =	strace s3  }
0x95: {  	s3 =	sld [smem:$0x3FFD];
	_ =	sdelay $0x3  }
0x96: {  	_ =	strace s3  }
0x97: {  	_ =	strace $0x8FFFFFFF  }
0x98: {  	s19 =	sld [smem:$0x3FDB];
	_ =	sdelay $0x1  }
0x99: {  	s4 =	simm.s32 $_scs_section_size  }
0x9a: {  	s5 =	simm.s32 $_size__tile_overlayer_lowered;
	s6 =	simm.s32 $_tile_overlayer_lowered  }
0x9b: {  	s22 =	simm.s32 $0x1BFF;
	s21 =	sshll.u32 s6, $0x1;
	s3 =	sadd.s32 s4, s19  }
0x9c: {  	s7 =	simm.s32 $0x0;
	s20 =	sshll.u32 s5, $0x1;
	s5 =	sadd.s32 s21, s3  }
0x9d: {  	[timem:s7], [sflag:s22] =	dma.local [hbm:s5], s20  }
0x9e: {  	_ =	swait.ge [sflag:s22], s20  }
0x9f: {  	s4 =	ssub.s32 $0x0, s20;
	[sflag:s22] =	ssyncset.done $0x0  }
0xa0: {  	[sflag:s22] =	ssyncadd.s32 s4;
	_ =	sdelay $0x1  }
0xa1: {  	s23 =	simm.s32 $0x1B8B  }
0xa2: {  	_ =	swait.ge [sflag:s23], $0x1  }
0xa3: {  	[sflag:s23] =	ssyncset.done $0x0  }
0xa4: {  	s25 =	simm.s32 $0x1B8E;
	s24 =	sld [smem:$0x3FFE];
	[sflag:s23] =	ssyncadd.s32 $0xFFFFFFFF  }
0xa5: {  	s26 =	simm.s32 $execute0_lowered;
	[smem:$0x3FD2] =	sst s25  }
0xa6: {  	s5 =	sshll.u32 s26, $0x1;
	_ =	strace $0x80000046;
	[dreg:$0x1] =	wrdreg $0xFFFFFFFF  }
0xa7: {  	s28 =	simm.s32 $_size_execute0_lowered;
	s3 =	sadd.s32 s3, s5;
	[dreg:$0x0] =	wrdreg $0x0  }
0xa8: {  	s5 =	sshll.u32 s28, $0x1;
	[dreg:$0x2] =	wrdreg s3  }
0xa9: {  	[dreg:$0x3] =	wrdreg s5  }
0xaa: {  	[dreg:$0x4] =	wrdreg $0xC0  }
0xab: {  	_ =	task [dreg:s7], $0x5FFFF  }
0xac: {  	[dreg:$0x1] =	wrdreg $0xFFFFFFFF  }
0xad: {  	[dreg:$0x0] =	wrdreg $0x60  }
0xae: {  	[dreg:$0x2] =	wrdreg s24  }
0xaf: {  	[dreg:$0x3] =	wrdreg s2  }
0xb0: {  	[dreg:$0x4] =	wrdreg $0x2B000  }
0xb1: {  	[dreg:$0x5] =	wrdreg $0x9  }
0xb2: {  	_ =	task.clear_ibuf [dreg:s7], $0x6FFFF;
	_ =	strace $0x90000046  }
0xb3: {  	s29 =	simm.s32 $0x9;
	_ =	strace $0x80000048  }
0xb4: {  	_ =	swait.ge [sflag:s29], $0x1  }
0xb5: {  	[sflag:s29] =	ssyncadd.s32 $0xFFFFFFFF  }
0xb6: {  	_ =	strace $0x90000048  }
0xb7: {  	_ =	sfence  }
0xb8: {  	s30 =	sld [smem:$0x0];
	_ =	sdelay $0x2  }
0xb9: {  	s31 =	sshll.u32 s1, $0xD;
	s1 =	sshrl.u32 s1, $0x2  }
0xba: {  	s3 =	sand.u32 $0x4000, s31;
	s1 =	sadd.s32 s1, s30  }
0xbb: {  	s0 =	sor.u32 s3, s0;
	s1 =	sshll.u32 s1, $0x11  }
0xbc: {  	s0 =	sor.u32 s1, s0  }
0xbd: {  	s0 =	sadd.s32 $0x8F2B, s0  }
0xbe: {  	[sflag:s0] =	ssyncadd.remote.s32 $0x1  }
0xbf: {  	_ =	sfence.sel $0xFFFF  }
0xc0: {  	[dreg:$0x0] =	wrdreg $0xFFFFFFFF;
	(pc) =	sbr.abs _section_cstart, $3  }
0xc1: {  	[dreg:$0x1] =	wrdreg $0xFFFFFFFF  }
0xc2: {  	_ =	task.clear_ibuf [dreg:s7], $0x2FFFF;
	_ =	strace $0x9FFFFFFF  }
0xc3: {  	(tm) =	ssettm $0x7FFFFFFF  }
tec
execute0_lowered:
.L_overlay_start_1:
0x0: {  	(tag) =	ssettag $0x1  }
0x1: {  	s4 =	rddreg [dreg:$0x0]  }
0x2: {  	s6 =	rddreg [dreg:$0x1];
	s1 =	srdreg.scid  }
0x3: {  	s0 =	stileid.u32;
	s2 =	rddreg [dreg:$0x2]  }
0x4: {  	s3 =	simm.s32 $0x0;
	s11 =	simm.s32 $0x2800;
	s12 =	simm.s32 $0x1  }
0x5: {  	s15 =	simm.s32 $0x20;
	s16 =	simm.s32 $0x10;
	s17 =	simm.s32 $0x0  }
0x6: {  	s5 =	sand.u32 $0x1, s1;
	s1 =	rddreg [dreg:$0x3];
	s8 =	smul.u32 $0x500, s0  }
0x7: {  	s7 =	sshll.u32 s0, $0x1;
	[smem:$0x7FF] =	sst s3;
	s10 =	smul.u32 $0xA00, s0  }
0x8: {  	s13 =	sshll.u32 s0, $0x6;
	s7 =	sor.u32 s5, s7;
	_ =	strace $0x80000047  }
0x9: {  	s9 =	ssub.s32 $0x2, s5;
	s5 =	sshll.u32 s5, $0x7;
	s13 =	sor.u32 $0x1C02, s13  }
0xa: {  	s7 =	smul.u32 $0x500, s7;
	s28 =	sshrl.u32 s9, $0x1;
	s5 =	sor.u32 s5, s8  }
0xb: {  	s30 =	sshrl.u32 s10, $0x2;
	s8 =	simm.s32 $0x2880;
	s10 =	simm.s32 $0x80  }
0xc: {  	s29 =	ssub.s32 s9, s28;
	s31 =	sshrl.u32 s5, $0x3;
	s9 =	simm.s32 $0x2  }
0xd: {  	s7 =	sadd.s32 s7, s4;
	s4 =	sadd.s32 s30, s2;
	s6 =	sadd.s32 s6, s31  }
0xe: {  	v0 =	vimm.f32 $1.000000000e+00;
	v1 =	vimm.f32 $0.0e+00;
	s5 =	sadd.s32 $0x2600, s7;
	s7 =	smax.u32 s29, $0x1;
	s14 =	sshrl.u32 s4, $0x3  }
.LBB2_1:
0xf: {  	[tilespmem:$0x2800] =	vst v0  }
0x10: {  	[tilespmem:$0x2810] =	vst v0  }
0x11: {  	[tilespmem:$0x2820] =	vst v0  }
0x12: {  	[tilespmem:$0x2830] =	vst v0  }
0x13: {  	[tilespmem:$0x2840] =	vst v0  }
0x14: {  	[tilespmem:$0x2850] =	vst v0  }
0x15: {  	[tilespmem:$0x2860] =	vst v0  }
0x16: {  	[tilespmem:$0x2870] =	vst v0  }
0x17: {  	[tilespmem:$0x2880] =	vst v1  }
0x18: {  	[tilespmem:$0x2890] =	vst v1  }
0x19: {  	[tilespmem:$0x28A0] =	vst v1  }
0x1a: {  	[tilespmem:$0x28B0] =	vst v1  }
0x1b: {  	[tilespmem:$0x28C0] =	vst v1  }
0x1c: {  	[tilespmem:$0x28D0] =	vst v1  }
0x1d: {  	[tilespmem:$0x28E0] =	vst v1  }
0x1e: {  	[tilespmem:$0x28F0] =	vst v1  }
0x1f: {  	[tilespmem:$0x2900] =	vst v1  }
0x20: {  	[tilespmem:$0x2910] =	vst v1  }
0x21: {  	[tilespmem:$0x2920] =	vst v1  }
0x22: {  	[tilespmem:$0x2930] =	vst v1  }
0x23: {  	[tilespmem:$0x2940] =	vst v1  }
0x24: {  	[tilespmem:$0x2950] =	vst v1  }
0x25: {  	[tilespmem:$0x2960] =	vst v1  }
0x26: {  	[tilespmem:$0x2970] =	vst v1  }
0x27: {  	[tilespmem:$0x2980] =	vst v1  }
0x28: {  	[tilespmem:$0x2990] =	vst v1  }
0x29: {  	[tilespmem:$0x29A0] =	vst v1  }
0x2a: {  	[tilespmem:$0x29B0] =	vst v1  }
0x2b: {  	[tilespmem:$0x29C0] =	vst v1  }
0x2c: {  	[tilespmem:$0x29D0] =	vst v1  }
0x2d: {  	[tilespmem:$0x29E0] =	vst v1  }
0x2e: {  	[tilespmem:$0x29F0] =	vst v1  }
0x2f: {  	[tilespmem:$0x2A00] =	vst v1  }
0x30: {  	[tilespmem:$0x2A10] =	vst v1  }
0x31: {  	[tilespmem:$0x2A20] =	vst v1  }
0x32: {  	[tilespmem:$0x2A30] =	vst v1  }
0x33: {  	[tilespmem:$0x2A40] =	vst v1  }
0x34: {  	[tilespmem:$0x2A50] =	vst v1  }
0x35: {  	[tilespmem:$0x2A60] =	vst v1  }
0x36: {  	[tilespmem:$0x2A70] =	vst v1  }
0x37: {  	[tilespmem:$0x2A80] =	vst v1  }
0x38: {  	[tilespmem:$0x2A90] =	vst v1  }
0x39: {  	[tilespmem:$0x2AA0] =	vst v1  }
0x3a: {  	[tilespmem:$0x2AB0] =	vst v1  }
0x3b: {  	[tilespmem:$0x2AC0] =	vst v1  }
0x3c: {  	[tilespmem:$0x2AD0] =	vst v1  }
0x3d: {  	[tilespmem:$0x2AE0] =	vst v1  }
0x3e: {  	[tilespmem:$0x2AF0] =	vst v1  }
0x3f: {  	[spmem:s4] =	stream.linear.scatter [tilespmem:s8], [sflag:$0x2], $0x280, $0x38;
	[tilespmem:$0x2D80] =	vst v63  }
0x40: {  	_ =	swait.ge [sflag:s9], $0x280  }
0x41: {  	[sflag:s9] =	ssyncset.done $0x0  }
0x42: {  	[sflag:s9] =	ssyncadd.s32 $0xFFFFFD80  }
0x43: {  	[bflag:$0x0] =	sbarrier.arrive $0xFFFF  }
0x44: {  	[tilespmem:s3], [sflag:$0x2] =	stream.linear.gather [hbm4b:s5+s3], $0x2800, $0x38;
	[tilespmem:$0x2D80] =	vst v63  }
0x45: {  	_ =	swait.ge [sflag:s9], $0x2800  }
0x46: {  	[sflag:s9] =	ssyncset.done $0x0  }
0x47: {  	s18 =	simm.s32 $0x0;
	[sflag:s9] =	ssyncadd.s32 $0xFFFFD800  }
0x48: {  	[spmem:s2] =	stream.indirect.scatter.add.f32 [tilespmem:s11], [sflag:$0x1], $0x1, s18, s10, $0xb8;
	[tilespmem:$0x2D80] =	vst v63  }
0x49: {  	s29 =	simm.s32 $0x80  }
0x4a: {  	[spmem:s2] =	stream.indirect.scatter.add.f32 [tilespmem:s11], [sflag:$0x1], $0x1, s29, s10, $0xb8;
	[tilespmem:$0x2D80] =	vst v63  }
0x4b: {  	s30 =	simm.s32 $0x100  }
0x4c: {  	[spmem:s2] =	stream.indirect.scatter.add.f32 [tilespmem:s11], [sflag:$0x1], $0x1, s30, s10, $0xb8;
	[tilespmem:$0x2D80] =	vst v63  }
0x4d: {  	s31 =	simm.s32 $0x180  }
0x4e: {  	[spmem:s2] =	stream.indirect.scatter.add.f32 [tilespmem:s11], [sflag:$0x1], $0x1, s31, s10, $0xb8;
	[tilespmem:$0x2D80] =	vst v63  }
0x4f: {  	s19 =	simm.s32 $0x200  }
0x50: {  	[spmem:s2] =	stream.indirect.scatter.add.f32 [tilespmem:s11], [sflag:$0x1], $0x1, s19, s10, $0xb8;
	[tilespmem:$0x2D80] =	vst v63  }
0x51: {  	s20 =	simm.s32 $0x280  }
0x52: {  	[spmem:s2] =	stream.indirect.scatter.add.f32 [tilespmem:s11], [sflag:$0x1], $0x1, s20, s10, $0xb8;
	[tilespmem:$0x2D80] =	vst v63  }
0x53: {  	s21 =	simm.s32 $0x300  }
0x54: {  	[spmem:s2] =	stream.indirect.scatter.add.f32 [tilespmem:s11], [sflag:$0x1], $0x1, s21, s10, $0xb8;
	[tilespmem:$0x2D80] =	vst v63  }
0x55: {  	s22 =	simm.s32 $0x380  }
0x56: {  	[spmem:s2] =	stream.indirect.scatter.add.f32 [tilespmem:s11], [sflag:$0x1], $0x1, s22, s10, $0xb8;
	[tilespmem:$0x2D80] =	vst v63  }
0x57: {  	s23 =	simm.s32 $0x400  }
0x58: {  	[spmem:s2] =	stream.indirect.scatter.add.f32 [tilespmem:s11], [sflag:$0x1], $0x1, s23, s10, $0xb8;
	[tilespmem:$0x2D80] =	vst v63  }
0x59: {  	s24 =	simm.s32 $0x480  }
0x5a: {  	[spmem:s2] =	stream.indirect.scatter.add.f32 [tilespmem:s11], [sflag:$0x1], $0x1, s24, s10, $0xb8;
	[tilespmem:$0x2D80] =	vst v63  }
0x5b: {  	s25 =	simm.s32 $0x500  }
0x5c: {  	[spmem:s2] =	stream.indirect.scatter.add.f32 [tilespmem:s11], [sflag:$0x1], $0x1, s25, s10, $0xb8;
	[tilespmem:$0x2D80] =	vst v63  }
0x5d: {  	s26 =	simm.s32 $0x580  }
0x5e: {  	[spmem:s2] =	stream.indirect.scatter.add.f32 [tilespmem:s11], [sflag:$0x1], $0x1, s26, s10, $0xb8;
	[tilespmem:$0x2D80] =	vst v63  }
0x5f: {  	s28 =	simm.s32 $0x600  }
0x60: {  	[spmem:s2] =	stream.indirect.scatter.add.f32 [tilespmem:s11], [sflag:$0x1], $0x1, s28, s10, $0xb8;
	[tilespmem:$0x2D80] =	vst v63  }
0x61: {  	s29 =	simm.s32 $0x680  }
0x62: {  	[spmem:s2] =	stream.indirect.scatter.add.f32 [tilespmem:s11], [sflag:$0x1], $0x1, s29, s10, $0xb8;
	[tilespmem:$0x2D80] =	vst v63  }
0x63: {  	s30 =	simm.s32 $0x700  }
0x64: {  	[spmem:s2] =	stream.indirect.scatter.add.f32 [tilespmem:s11], [sflag:$0x1], $0x1, s30, s10, $0xb8;
	[tilespmem:$0x2D80] =	vst v63  }
0x65: {  	s31 =	simm.s32 $0x780  }
0x66: {  	[spmem:s2] =	stream.indirect.scatter.add.f32 [tilespmem:s11], [sflag:$0x1], $0x1, s31, s10, $0xb8;
	[tilespmem:$0x2D80] =	vst v63  }
0x67: {  	_ =	swait.ge [sflag:s12], $0x80  }
0x68: {  	[sflag:s12] =	ssyncset.done $0x0  }
0x69: {  	[sflag:s12] =	ssyncadd.s32 $0xFFFFFF80  }
0x6a: {  	_ =	swait.ge [sflag:s12], $0x80  }
0x6b: {  	[sflag:s12] =	ssyncset.done $0x0  }
0x6c: {  	[sflag:s12] =	ssyncadd.s32 $0xFFFFFF80  }
0x6d: {  	_ =	swait.ge [sflag:s12], $0x80  }
0x6e: {  	[sflag:s12] =	ssyncset.done $0x0  }
0x6f: {  	[sflag:s12] =	ssyncadd.s32 $0xFFFFFF80  }
0x70: {  	_ =	swait.ge [sflag:s12], $0x80  }
0x71: {  	[sflag:s12] =	ssyncset.done $0x0  }
0x72: {  	[sflag:s12] =	ssyncadd.s32 $0xFFFFFF80  }
0x73: {  	_ =	swait.ge [sflag:s12], $0x80  }
0x74: {  	[sflag:s12] =	ssyncset.done $0x0  }
0x75: {  	[sflag:s12] =	ssyncadd.s32 $0xFFFFFF80  }
0x76: {  	_ =	swait.ge [sflag:s12], $0x80  }
0x77: {  	[sflag:s12] =	ssyncset.done $0x0  }
0x78: {  	[sflag:s12] =	ssyncadd.s32 $0xFFFFFF80  }
0x79: {  	_ =	swait.ge [sflag:s12], $0x80  }
0x7a: {  	[sflag:s12] =	ssyncset.done $0x0  }
0x7b: {  	[sflag:s12] =	ssyncadd.s32 $0xFFFFFF80  }
0x7c: {  	_ =	swait.ge [sflag:s12], $0x80  }
0x7d: {  	[sflag:s12] =	ssyncset.done $0x0  }
0x7e: {  	[sflag:s12] =	ssyncadd.s32 $0xFFFFFF80  }
0x7f: {  	_ =	swait.ge [sflag:s12], $0x80  }
0x80: {  	[sflag:s12] =	ssyncset.done $0x0  }
0x81: {  	[sflag:s12] =	ssyncadd.s32 $0xFFFFFF80  }
0x82: {  	_ =	swait.ge [sflag:s12], $0x80  }
0x83: {  	[sflag:s12] =	ssyncset.done $0x0  }
0x84: {  	[sflag:s12] =	ssyncadd.s32 $0xFFFFFF80  }
0x85: {  	_ =	swait.ge [sflag:s12], $0x80  }
0x86: {  	[sflag:s12] =	ssyncset.done $0x0  }
0x87: {  	[sflag:s12] =	ssyncadd.s32 $0xFFFFFF80  }
0x88: {  	_ =	swait.ge [sflag:s12], $0x80  }
0x89: {  	[sflag:s12] =	ssyncset.done $0x0  }
0x8a: {  	[sflag:s12] =	ssyncadd.s32 $0xFFFFFF80  }
0x8b: {  	_ =	swait.ge [sflag:s12], $0x80  }
0x8c: {  	[sflag:s12] =	ssyncset.done $0x0  }
0x8d: {  	[sflag:s12] =	ssyncadd.s32 $0xFFFFFF80  }
0x8e: {  	_ =	swait.ge [sflag:s12], $0x80  }
0x8f: {  	[sflag:s12] =	ssyncset.done $0x0  }
0x90: {  	[sflag:s12] =	ssyncadd.s32 $0xFFFFFF80  }
0x91: {  	_ =	swait.ge [sflag:s12], $0x80  }
0x92: {  	[sflag:s12] =	ssyncset.done $0x0  }
0x93: {  	[sflag:s12] =	ssyncadd.s32 $0xFFFFFF80  }
0x94: {  	_ =	swait.ge [sflag:s12], $0x80  }
0x95: {  	s18 =	simm.s32 $0x2000;
	s21 =	simm.s32 $0x4000;
	[sflag:s12] =	ssyncset.done $0x0  }
.LBB2_2:
0x96: {  	s20 =	sshra.s32 s18, $0x2  }
0x97: {  	[sflag:s12] =	ssyncadd.s32 $0xFFFFFF80;
	s18 =	smov.u32 s21;
	s19 =	sadd.s32 $0x2000, s21  }
0x98: {  	[spmem:s2] =	stream.indirect.scatter.add.f32 [tilespmem:s11], [sflag:$0x1], $0x1, s20, s10, $0xb8;
	[tilespmem:$0x2D80] =	vst v63  }
0x99: {  	p0 =	sne.s32 s21, $0x8000;
	s21 =	sadd.s32 $0x80, s20  }
0x9a: {  	[spmem:s2] =	stream.indirect.scatter.add.f32 [tilespmem:s11], [sflag:$0x1], $0x1, s21, s10, $0xb8;
	[tilespmem:$0x2D80] =	vst v63  }
0x9b: {  	s21 =	sadd.s32 $0x100, s20  }
0x9c: {  	[spmem:s2] =	stream.indirect.scatter.add.f32 [tilespmem:s11], [sflag:$0x1], $0x1, s21, s10, $0xb8;
	[tilespmem:$0x2D80] =	vst v63  }
0x9d: {  	s21 =	sadd.s32 $0x180, s20  }
0x9e: {  	[spmem:s2] =	stream.indirect.scatter.add.f32 [tilespmem:s11], [sflag:$0x1], $0x1, s21, s10, $0xb8;
	[tilespmem:$0x2D80] =	vst v63  }
0x9f: {  	s21 =	sadd.s32 $0x200, s20  }
0xa0: {  	[spmem:s2] =	stream.indirect.scatter.add.f32 [tilespmem:s11], [sflag:$0x1], $0x1, s21, s10, $0xb8;
	[tilespmem:$0x2D80] =	vst v63  }
0xa1: {  	s21 =	sadd.s32 $0x280, s20  }
0xa2: {  	[spmem:s2] =	stream.indirect.scatter.add.f32 [tilespmem:s11], [sflag:$0x1], $0x1, s21, s10, $0xb8;
	[tilespmem:$0x2D80] =	vst v63  }
0xa3: {  	s21 =	sadd.s32 $0x300, s20  }
0xa4: {  	[spmem:s2] =	stream.indirect.scatter.add.f32 [tilespmem:s11], [sflag:$0x1], $0x1, s21, s10, $0xb8;
	[tilespmem:$0x2D80] =	vst v63  }
0xa5: {  	s21 =	sadd.s32 $0x380, s20  }
0xa6: {  	[spmem:s2] =	stream.indirect.scatter.add.f32 [tilespmem:s11], [sflag:$0x1], $0x1, s21, s10, $0xb8;
	[tilespmem:$0x2D80] =	vst v63  }
0xa7: {  	s21 =	sadd.s32 $0x400, s20  }
0xa8: {  	[spmem:s2] =	stream.indirect.scatter.add.f32 [tilespmem:s11], [sflag:$0x1], $0x1, s21, s10, $0xb8;
	[tilespmem:$0x2D80] =	vst v63  }
0xa9: {  	s21 =	sadd.s32 $0x480, s20  }
0xaa: {  	[spmem:s2] =	stream.indirect.scatter.add.f32 [tilespmem:s11], [sflag:$0x1], $0x1, s21, s10, $0xb8;
	[tilespmem:$0x2D80] =	vst v63  }
0xab: {  	s21 =	sadd.s32 $0x500, s20  }
0xac: {  	[spmem:s2] =	stream.indirect.scatter.add.f32 [tilespmem:s11], [sflag:$0x1], $0x1, s21, s10, $0xb8;
	[tilespmem:$0x2D80] =	vst v63  }
0xad: {  	s21 =	sadd.s32 $0x580, s20  }
0xae: {  	[spmem:s2] =	stream.indirect.scatter.add.f32 [tilespmem:s11], [sflag:$0x1], $0x1, s21, s10, $0xb8;
	[tilespmem:$0x2D80] =	vst v63  }
0xaf: {  	s21 =	sadd.s32 $0x600, s20  }
0xb0: {  	[spmem:s2] =	stream.indirect.scatter.add.f32 [tilespmem:s11], [sflag:$0x1], $0x1, s21, s10, $0xb8;
	[tilespmem:$0x2D80] =	vst v63  }
0xb1: {  	s21 =	sadd.s32 $0x680, s20  }
0xb2: {  	[spmem:s2] =	stream.indirect.scatter.add.f32 [tilespmem:s11], [sflag:$0x1], $0x1, s21, s10, $0xb8;
	[tilespmem:$0x2D80] =	vst v63  }
0xb3: {  	s21 =	sadd.s32 $0x700, s20  }
0xb4: {  	[spmem:s2] =	stream.indirect.scatter.add.f32 [tilespmem:s11], [sflag:$0x1], $0x1, s21, s10, $0xb8;
	[tilespmem:$0x2D80] =	vst v63  }
0xb5: {  	s20 =	sadd.s32 $0x780, s20  }
0xb6: {  	[spmem:s2] =	stream.indirect.scatter.add.f32 [tilespmem:s11], [sflag:$0x1], $0x1, s20, s10, $0xb8;
	[tilespmem:$0x2D80] =	vst v63  }
0xb7: {  	_ =	swait.ge [sflag:s12], $0x80  }
0xb8: {  	[sflag:s12] =	ssyncset.done $0x0  }
0xb9: {  	[sflag:s12] =	ssyncadd.s32 $0xFFFFFF80  }
0xba: {  	_ =	swait.ge [sflag:s12], $0x80  }
0xbb: {  	[sflag:s12] =	ssyncset.done $0x0  }
0xbc: {  	[sflag:s12] =	ssyncadd.s32 $0xFFFFFF80  }
0xbd: {  	_ =	swait.ge [sflag:s12], $0x80  }
0xbe: {  	[sflag:s12] =	ssyncset.done $0x0  }
0xbf: {  	[sflag:s12] =	ssyncadd.s32 $0xFFFFFF80  }
0xc0: {  	_ =	swait.ge [sflag:s12], $0x80  }
0xc1: {  	[sflag:s12] =	ssyncset.done $0x0  }
0xc2: {  	[sflag:s12] =	ssyncadd.s32 $0xFFFFFF80  }
0xc3: {  	_ =	swait.ge [sflag:s12], $0x80  }
0xc4: {  	[sflag:s12] =	ssyncset.done $0x0  }
0xc5: {  	[sflag:s12] =	ssyncadd.s32 $0xFFFFFF80  }
0xc6: {  	_ =	swait.ge [sflag:s12], $0x80  }
0xc7: {  	[sflag:s12] =	ssyncset.done $0x0  }
0xc8: {  	[sflag:s12] =	ssyncadd.s32 $0xFFFFFF80  }
0xc9: {  	_ =	swait.ge [sflag:s12], $0x80  }
0xca: {  	[sflag:s12] =	ssyncset.done $0x0  }
0xcb: {  	[sflag:s12] =	ssyncadd.s32 $0xFFFFFF80  }
0xcc: {  	_ =	swait.ge [sflag:s12], $0x80  }
0xcd: {  	[sflag:s12] =	ssyncset.done $0x0  }
0xce: {  	[sflag:s12] =	ssyncadd.s32 $0xFFFFFF80  }
0xcf: {  	_ =	swait.ge [sflag:s12], $0x80  }
0xd0: {  	[sflag:s12] =	ssyncset.done $0x0  }
0xd1: {  	[sflag:s12] =	ssyncadd.s32 $0xFFFFFF80  }
0xd2: {  	_ =	swait.ge [sflag:s12], $0x80  }
0xd3: {  	[sflag:s12] =	ssyncset.done $0x0  }
0xd4: {  	[sflag:s12] =	ssyncadd.s32 $0xFFFFFF80  }
0xd5: {  	_ =	swait.ge [sflag:s12], $0x80  }
0xd6: {  	[sflag:s12] =	ssyncset.done $0x0  }
0xd7: {  	[sflag:s12] =	ssyncadd.s32 $0xFFFFFF80  }
0xd8: {  	_ =	swait.ge [sflag:s12], $0x80  }
0xd9: {  	[sflag:s12] =	ssyncset.done $0x0  }
0xda: {  	[sflag:s12] =	ssyncadd.s32 $0xFFFFFF80  }
0xdb: {  	_ =	swait.ge [sflag:s12], $0x80  }
0xdc: {  	[sflag:s12] =	ssyncset.done $0x0  }
0xdd: {  	[sflag:s12] =	ssyncadd.s32 $0xFFFFFF80  }
0xde: {  	_ =	swait.ge [sflag:s12], $0x80  }
0xdf: {  	[sflag:s12] =	ssyncset.done $0x0  }
0xe0: {  	[sflag:s12] =	ssyncadd.s32 $0xFFFFFF80  }
.Ltmp0:
0xe1: {  	_ =	swait.ge [sflag:s12], $0x80;
	(pc) =	sbr.rel @p0 .LBB2_2-.Ltmp0, $4  }
0xe2: {  	[sflag:s12] =	ssyncset.done $0x0  }
0xe3: {  	[sflag:s12] =	ssyncadd.s32 $0xFFFFFF80  }
0xe4: {  	_ =	swait.ge [sflag:s12], $0x80  }
0xe5: {  	s21 =	smov.u32 s19;
	[sflag:s12] =	ssyncset.done $0x0  }
0xe6: {  	s18 =	sshra.s32 s18, $0x2;
	[sflag:s12] =	ssyncadd.s32 $0xFFFFFF80  }
0xe7: {  	[spmem:s2] =	stream.indirect.scatter.add.f32 [tilespmem:s11], [sflag:$0x1], $0x1, s18, s10, $0xb8;
	[tilespmem:$0x2D80] =	vst v63  }
0xe8: {  	s19 =	sadd.s32 $0x80, s18  }
0xe9: {  	[spmem:s2] =	stream.indirect.scatter.add.f32 [tilespmem:s11], [sflag:$0x1], $0x1, s19, s10, $0xb8;
	[tilespmem:$0x2D80] =	vst v63  }
0xea: {  	s30 =	sadd.s32 $0x100, s18  }
0xeb: {  	[spmem:s2] =	stream.indirect.scatter.add.f32 [tilespmem:s11], [sflag:$0x1], $0x1, s30, s10, $0xb8;
	[tilespmem:$0x2D80] =	vst v63  }
0xec: {  	s31 =	sadd.s32 $0x180, s18  }
0xed: {  	[spmem:s2] =	stream.indirect.scatter.add.f32 [tilespmem:s11], [sflag:$0x1], $0x1, s31, s10, $0xb8;
	[tilespmem:$0x2D80] =	vst v63  }
0xee: {  	s20 =	sadd.s32 $0x200, s18  }
0xef: {  	[spmem:s2] =	stream.indirect.scatter.add.f32 [tilespmem:s11], [sflag:$0x1], $0x1, s20, s10, $0xb8;
	[tilespmem:$0x2D80] =	vst v63  }
0xf0: {  	s21 =	sadd.s32 $0x280, s18  }
0xf1: {  	[spmem:s2] =	stream.indirect.scatter.add.f32 [tilespmem:s11], [sflag:$0x1], $0x1, s21, s10, $0xb8;
	[tilespmem:$0x2D80] =	vst v63  }
0xf2: {  	s22 =	sadd.s32 $0x300, s18  }
0xf3: {  	[spmem:s2] =	stream.indirect.scatter.add.f32 [tilespmem:s11], [sflag:$0x1], $0x1, s22, s10, $0xb8;
	[tilespmem:$0x2D80] =	vst v63  }
0xf4: {  	s23 =	sadd.s32 $0x380, s18  }
0xf5: {  	[spmem:s2] =	stream.indirect.scatter.add.f32 [tilespmem:s11], [sflag:$0x1], $0x1, s23, s10, $0xb8;
	[tilespmem:$0x2D80] =	vst v63  }
0xf6: {  	s24 =	sadd.s32 $0x400, s18  }
0xf7: {  	[spmem:s2] =	stream.indirect.scatter.add.f32 [tilespmem:s11], [sflag:$0x1], $0x1, s24, s10, $0xb8;
	[tilespmem:$0x2D80] =	vst v63  }
0xf8: {  	s25 =	sadd.s32 $0x480, s18  }
0xf9: {  	[spmem:s2] =	stream.indirect.scatter.add.f32 [tilespmem:s11], [sflag:$0x1], $0x1, s25, s10, $0xb8;
	[tilespmem:$0x2D80] =	vst v63  }
0xfa: {  	s26 =	sadd.s32 $0x500, s18  }
0xfb: {  	[spmem:s2] =	stream.indirect.scatter.add.f32 [tilespmem:s11], [sflag:$0x1], $0x1, s26, s10, $0xb8;
	[tilespmem:$0x2D80] =	vst v63  }
0xfc: {  	s28 =	sadd.s32 $0x580, s18  }
0xfd: {  	[spmem:s2] =	stream.indirect.scatter.add.f32 [tilespmem:s11], [sflag:$0x1], $0x1, s28, s10, $0xb8;
	[tilespmem:$0x2D80] =	vst v63  }
0xfe: {  	s29 =	sadd.s32 $0x600, s18  }
0xff: {  	[spmem:s2] =	stream.indirect.scatter.add.f32 [tilespmem:s11], [sflag:$0x1], $0x1, s29, s10, $0xb8;
	[tilespmem:$0x2D80] =	vst v63  }
0x100: {  	s30 =	sadd.s32 $0x680, s18  }
0x101: {  	[spmem:s2] =	stream.indirect.scatter.add.f32 [tilespmem:s11], [sflag:$0x1], $0x1, s30, s10, $0xb8;
	[tilespmem:$0x2D80] =	vst v63  }
0x102: {  	s31 =	sadd.s32 $0x700, s18  }
0x103: {  	[spmem:s2] =	stream.indirect.scatter.add.f32 [tilespmem:s11], [sflag:$0x1], $0x1, s31, s10, $0xb8;
	[tilespmem:$0x2D80] =	vst v63  }
0x104: {  	s18 =	sadd.s32 $0x780, s18  }
0x105: {  	[spmem:s2] =	stream.indirect.scatter.add.f32 [tilespmem:s11], [sflag:$0x1], $0x1, s18, s10, $0xb8;
	[tilespmem:$0x2D80] =	vst v63  }
0x106: {  	_ =	swait.ge [sflag:s12], $0x80  }
0x107: {  	[sflag:s12] =	ssyncset.done $0x0  }
0x108: {  	[sflag:s12] =	ssyncadd.s32 $0xFFFFFF80  }
0x109: {  	_ =	swait.ge [sflag:s12], $0x80  }
0x10a: {  	[sflag:s12] =	ssyncset.done $0x0  }
0x10b: {  	[sflag:s12] =	ssyncadd.s32 $0xFFFFFF80  }
0x10c: {  	_ =	swait.ge [sflag:s12], $0x80  }
0x10d: {  	[sflag:s12] =	ssyncset.done $0x0  }
0x10e: {  	[sflag:s12] =	ssyncadd.s32 $0xFFFFFF80  }
0x10f: {  	_ =	swait.ge [sflag:s12], $0x80  }
0x110: {  	[sflag:s12] =	ssyncset.done $0x0  }
0x111: {  	[sflag:s12] =	ssyncadd.s32 $0xFFFFFF80  }
0x112: {  	_ =	swait.ge [sflag:s12], $0x80  }
0x113: {  	[sflag:s12] =	ssyncset.done $0x0  }
0x114: {  	[sflag:s12] =	ssyncadd.s32 $0xFFFFFF80  }
0x115: {  	_ =	swait.ge [sflag:s12], $0x80  }
0x116: {  	[sflag:s12] =	ssyncset.done $0x0  }
0x117: {  	[sflag:s12] =	ssyncadd.s32 $0xFFFFFF80  }
0x118: {  	_ =	swait.ge [sflag:s12], $0x80  }
0x119: {  	[sflag:s12] =	ssyncset.done $0x0  }
0x11a: {  	[sflag:s12] =	ssyncadd.s32 $0xFFFFFF80  }
0x11b: {  	_ =	swait.ge [sflag:s12], $0x80  }
0x11c: {  	[sflag:s12] =	ssyncset.done $0x0  }
0x11d: {  	[sflag:s12] =	ssyncadd.s32 $0xFFFFFF80  }
0x11e: {  	_ =	swait.ge [sflag:s12], $0x80  }
0x11f: {  	[sflag:s12] =	ssyncset.done $0x0  }
0x120: {  	[sflag:s12] =	ssyncadd.s32 $0xFFFFFF80  }
0x121: {  	_ =	swait.ge [sflag:s12], $0x80  }
0x122: {  	[sflag:s12] =	ssyncset.done $0x0  }
0x123: {  	[sflag:s12] =	ssyncadd.s32 $0xFFFFFF80  }
0x124: {  	_ =	swait.ge [sflag:s12], $0x80  }
0x125: {  	[sflag:s12] =	ssyncset.done $0x0  }
0x126: {  	[sflag:s12] =	ssyncadd.s32 $0xFFFFFF80  }
0x127: {  	_ =	swait.ge [sflag:s12], $0x80  }
0x128: {  	[sflag:s12] =	ssyncset.done $0x0  }
0x129: {  	[sflag:s12] =	ssyncadd.s32 $0xFFFFFF80  }
0x12a: {  	_ =	swait.ge [sflag:s12], $0x80  }
0x12b: {  	[sflag:s12] =	ssyncset.done $0x0  }
0x12c: {  	[sflag:s12] =	ssyncadd.s32 $0xFFFFFF80  }
0x12d: {  	_ =	swait.ge [sflag:s12], $0x80  }
0x12e: {  	[sflag:s12] =	ssyncset.done $0x0  }
0x12f: {  	[sflag:s12] =	ssyncadd.s32 $0xFFFFFF80  }
0x130: {  	_ =	swait.ge [sflag:s12], $0x80  }
0x131: {  	[sflag:s12] =	ssyncset.done $0x0  }
0x132: {  	[sflag:s12] =	ssyncadd.s32 $0xFFFFFF80  }
0x133: {  	_ =	swait.ge [sflag:s12], $0x80  }
0x134: {  	s17 =	sadd.s32 $0x1, s17;
	[sflag:s12] =	ssyncset.done $0x0  }
0x135: {  	p0 =	sne.s32 s17, s7;
	[sflag:s12] =	ssyncadd.s32 $0xFFFFFF80  }
.Ltmp1:
0x136: {  	[bflag:$0x0] =	sbarrier.arrive $0xFFFF;
	(pc) =	sbr.rel @p0 .LBB2_1-.Ltmp1, $4  }
0x137: {  	[hbm:s6@s15], [sflag:s13] =	dma.strided [spmem:s14@s16], $0x50, s12, $0x10   }
0x138: {  	_ =	swait.ge [sflag:s9], $0x50  }
0x139: {  	[sflag:s9] =	ssyncset.done $0x0  }
0x13a: {  	[sflag:s9] =	ssyncadd.s32 $0xFFFFFFB0  }
0x13b: {  	_ =	sfence.sel $0x180000  }
0x13c: {  	[bflag:$0x0] =	sbarrier.arrive $0xFFFF  }
0x13d: {  	p0 =	sne.s32 s0, $0x0;
	_ =	strace $0x90000047  }
0x13e: {  	s0 =	sadd.s32 @!p0 $0x100000, s1;
	[bflag:$0x2] =	sbarrier.arrive $0xFFFF  }
0x13f: {  	[sflag:s0] =	ssyncadd.tile.s32 @!p0 $0x1;
	_ =	shalt  }
.Lfunc_end2:
_tile_overlayer_lowered:
.L_overlay_start_2:
0x140: {  	(tag) =	ssettag $0x2  }
0x141: {  	s0 =	rddreg [dreg:$0x0];
	s2 =	stileid.u32  }
0x142: {  	s1 =	rddreg [dreg:$0x1];
	p0 =	sne.s32 s2, $0x0  }
0x143: {  	s3 =	rddreg [dreg:$0x2];
	[bflag:$0x3] =	sbarrier.arrive $0xFFFF;
	s2 =	simm.s32 @!p0 $0x1C02  }
0x144: {  	[timem:s3], [sflag:s2] =	dma.local @!p0 [hbm:s0], s1  }
0x145: {  	s0 =	simm.s32 @!p0 $0x2  }
0x146: {  	_ =	swait.ge @!p0 [sflag:s0], s1  }
0x147: {  	s1 =	ssub.s32 @!p0 $0x0, s1;
	[sflag:s0] =	ssyncset.done @!p0 $0x0  }
0x148: {  	[sflag:s0] =	ssyncadd.s32 @!p0 s1  }
0x149: {  	[bflag:$0x3] =	sbarrier.arrive $0xFFFF  }
0x14a: {  	_ =	shalt  }

// kernel: kernel.9.cloned.1.call-start
scs
__scs_entry_jumppad:
0x0: {  	(pc) =	sbr.rel $0x88, $3  }
0x1: {  	(tag) =	ssettag $0x0;
	lr =	simm.s32 $0x1  }
0x2: {  	[smem:$0x3F97] =	sst lr;
	_ =	strace $0xD0000000  }
0x3: {  	_ = 	snop  }
0x4: {  	_ = 	snop  }
0x5: {  	_ = 	snop  }
0x6: {  	_ = 	snop  }
0x7: {  	_ = 	snop  }
__scs_overlays_trampoline_lowered:
0x8: {  	[smem:$0x3FA6] =	sst s0  }
0x9: {  	[smem:$0x3FA7] =	sst s1  }
0xa: {  	[smem:$0x3FA8] =	sst s2  }
0xb: {  	[smem:$0x3FA9] =	sst s3  }
0xc: {  	[smem:$0x3FAA] =	sst s4  }
0xd: {  	[smem:$0x3FAB] =	sst s5  }
0xe: {  	[smem:$0x3FAC] =	sst s6  }
0xf: {  	[smem:$0x3FAD] =	sst s7  }
0x10: {  	[smem:$0x3FAE] =	sst s8  }
0x11: {  	[smem:$0x3FAF] =	sst s9;
	s0 =	simm.s32 @!p0 $0x0  }
0x12: {  	s1 =	sld [smem:$0x3F95];
	s0 =	simm.s32 @p0 $0x1  }
0x13: {  	[smem:$0x3FB0] =	sst s0;
	s0 =	simm.s32 @!p1 $0x0  }
0x14: {  	s2 =	sld [smem:$0x3F94];
	s0 =	simm.s32 @p1 $0x1  }
0x15: {  	[smem:$0x3FB1] =	sst s0;
	s0 =	simm.s32 @!p2 $0x0  }
0x16: {  	s3 =	sld [smem:$0x3FDB];
	s0 =	simm.s32 @p2 $0x1  }
0x17: {  	s4 =	simm.s32 $0x1BF5;
	[smem:$0x3FB3] =	sst s0  }
0x18: {  	s0 =	sld [smem:$0x3F96];
	_ =	swait.ge [sflag:s4], $0x0  }
0x19: {  	s7 =	sld [smem:$0x3F97]  }
0x1a: {  	s8 =	sadd.s32 $0xFFFFE003, lr  }
0x1b: {  	s9 =	sadd.s32 $0xFFFFFEF7, lr;
	s5 =	simm.s32 $0xFFFFFFFF;
	p2 =	slt.u32 s8, $0xFFFFF086  }
0x1c: {  	p1 =	slt.u32 s9, $0xF7A;
	s5 =	simm.s32 @!p2 $0x0  }
0x1d: {  	s5 =	simm.s32 @p1 $0x1;
	p0 =	seq.s32 s7, s2  }
0x1e: {  	s7 =	smul.u32 @!p0 $0xF7A, s2;
	p2 =	seq.s32 @!p0 s5, $0x0  }
0x1f: {  	s9 =	smul.u32 $0xF7A, s1;
	s8 =	simm.s32 @!p0 $0x1BF5;
	p2 =	por !p2, p0  }
0x20: {  	[sflag:s8] =	ssyncset.s32 @!p0 $0xFFFFF086;
	s6 =	sadd.s32 @!p0 s3, s7;
	s7 =	simm.s32 @!p0 $0x108  }
0x21: {  	s3 =	sadd.s32 s3, s9;
	s6 =	sadd.s32 @!p0 $0x88, s6;
	s7 =	simm.s32 @p2 $0x1082  }
0x22: {  	[simem:s7], [sflag:s8] =	dma.local @!p0 [hbm:s6], $0xF7A  }
0x23: {  	s9 =	sor.u32 $0xD0000000, s2;
	s6 =	simm.s32 $0x108;
	_ =	swait.ge @!p0 [sflag:s8], $0x0  }
0x24: {  	s3 =	sadd.s32 $0x88, s3;
	s6 =	simm.s32 @!p1 $0x1082;
	[sflag:s4] =	ssyncset.s32 $0xFFFFF086  }
0x25: {  	[simem:s6], [sflag:s4] =	dma.local [hbm:s3], $0xF7A  }
0x26: {  	[smem:$0x3F97] =	sst s1;
	(tag) =	ssettag s2;
	_ =	strace s9  }
0x27: {  	s1 =	sld [smem:$0x3FA7]  }
0x28: {  	s2 =	sld [smem:$0x3FA8]  }
0x29: {  	s4 =	sld [smem:$0x3FAA]  }
0x2a: {  	p0 =	seq.s32 s5, $0x0;
	s5 =	sld [smem:$0x3FAB]  }
0x2b: {  	s6 =	sld [smem:$0x3FAC]  }
0x2c: {  	s7 =	sld [smem:$0x3FAD]  }
0x2d: {  	s3 =	simm.s32 $0x108;
	s8 =	sld [smem:$0x3FAE]  }
0x2e: {  	s3 =	simm.s32 @!p0 $0x1082;
	s9 =	sld [smem:$0x3FAF]  }
0x2f: {  	lr =	sadd.s32 s0, s3;
	s0 =	sld [smem:$0x3FA6]  }
0x30: {  	s3 =	sld [smem:$0x3FA9]  }
0x31: {  	[smem:$0x3FB2] =	sst s10  }
0x32: {  	s10 =	sld [smem:$0x3FB0];
	_ =	sdelay $0x3  }
0x33: {  	p0 =	seq.s32 s10, $0x1;
	s10 =	sld [smem:$0x3FB2];
	_ =	sdelay $0x3  }
0x34: {  	[smem:$0x3FB2] =	sst s10  }
0x35: {  	s10 =	sld [smem:$0x3FB1];
	_ =	sdelay $0x3  }
0x36: {  	p1 =	seq.s32 s10, $0x1;
	s10 =	sld [smem:$0x3FB2];
	_ =	sdelay $0x3  }
0x37: {  	[smem:$0x3FB2] =	sst s10  }
0x38: {  	s10 =	sld [smem:$0x3FB3]  }
0x39: {  	_ = 	snop;
	(pc) =	sbr.ind lr, $3  }
0x3a: {  	_ = 	snop  }
0x3b: {  	_ = 	snop  }
0x3c: {  	p2 =	seq.s32 s10, $0x1;
	s10 =	sld [smem:$0x3FB2]  }
0x3d: {  	_ =	shalt  }
0x3e: {  	_ =	shalt  }
0x3f: {  	_ =	shalt  }
0x40: {  	_ =	shalt  }
0x41: {  	_ =	shalt  }
0x42: {  	_ =	shalt  }
0x43: {  	_ =	shalt  }
0x44: {  	_ =	shalt  }
0x45: {  	_ =	shalt  }
0x46: {  	_ =	shalt  }
0x47: {  	_ =	shalt  }
0x48: {  	_ =	shalt  }
0x49: {  	_ =	shalt  }
0x4a: {  	_ =	shalt  }
0x4b: {  	_ =	shalt  }
0x4c: {  	_ =	shalt  }
0x4d: {  	_ =	shalt  }
0x4e: {  	_ =	shalt  }
0x4f: {  	_ =	shalt  }
0x50: {  	_ =	shalt  }
0x51: {  	_ =	shalt  }
0x52: {  	_ =	shalt  }
0x53: {  	_ =	shalt  }
0x54: {  	_ =	shalt  }
0x55: {  	_ =	shalt  }
0x56: {  	_ =	shalt  }
0x57: {  	_ =	shalt  }
0x58: {  	_ =	shalt  }
0x59: {  	_ =	shalt  }
0x5a: {  	_ =	shalt  }
0x5b: {  	_ =	shalt  }
0x5c: {  	_ =	shalt  }
0x5d: {  	_ =	shalt  }
0x5e: {  	_ =	shalt  }
0x5f: {  	_ =	shalt  }
0x60: {  	_ =	shalt  }
0x61: {  	_ =	shalt  }
0x62: {  	_ =	shalt  }
0x63: {  	_ =	shalt  }
0x64: {  	_ =	shalt  }
0x65: {  	_ =	shalt  }
0x66: {  	_ =	shalt  }
0x67: {  	_ =	shalt  }
0x68: {  	_ =	shalt  }
0x69: {  	_ =	shalt  }
0x6a: {  	_ =	shalt  }
0x6b: {  	_ =	shalt  }
0x6c: {  	_ =	shalt  }
0x6d: {  	_ =	shalt  }
0x6e: {  	_ =	shalt  }
0x6f: {  	_ =	shalt  }
0x70: {  	_ =	shalt  }
0x71: {  	_ =	shalt  }
0x72: {  	_ =	shalt  }
0x73: {  	_ =	shalt  }
0x74: {  	_ =	shalt  }
0x75: {  	_ =	shalt  }
0x76: {  	_ =	shalt  }
0x77: {  	_ =	shalt  }
0x78: {  	_ =	shalt  }
0x79: {  	_ =	shalt  }
0x7a: {  	_ =	shalt  }
0x7b: {  	_ =	shalt  }
0x7c: {  	_ =	shalt  }
0x7d: {  	_ =	shalt  }
0x7e: {  	_ =	shalt  }
0x7f: {  	_ =	shalt  }
0x80: {  	_ =	shalt  }
0x81: {  	_ =	shalt  }
0x82: {  	_ =	shalt  }
0x83: {  	_ =	shalt  }
0x84: {  	_ =	shalt  }
0x85: {  	_ =	shalt  }
0x86: {  	_ =	shalt  }
0x87: {  	_ =	shalt  }
.Lfunc_end0:
.L_simem_size_0:
called_computation.1_lowered:
.L_overlay_start_0:
0x88: {  	s2 =	sld [smem:$0x3FD9]  }
0x89: {  	s3 =	sld [smem:$0x3FFE];
	_ =	sdelay $0x1  }
0x8a: {  	s1 =	srdreg.scid  }
0x8b: {  	s0 =	sand.u32 $0x1, s1  }
0x8c: {  	s17 =	sshll.u32 s0, $0xA;
	s2 =	sadd.s32 s3, s2  }
0x8d: {  	s2 =	sadd.s32 s2, s17  }
0x8e: {  	[smem:$0x3FBE] =	sst s2  }
0x8f: {  	_ = 	snop  }
0x90: {  	s2 =	sld [smem:$0x3FD0];
	(tm) =	ssettm $0x1  }
0x91: {  	s18 =	sld [smem:$0x3FFB];
	_ =	sdelay $0x3  }
0x92: {  	_ =	strace s18  }
0x93: {  	s3 =	sld [smem:$0x3FFC];
	_ =	sdelay $0x3  }
0x94: {  	_ =	strace s3  }
0x95: {  	s3 =	sld [smem:$0x3FFD];
	_ =	sdelay $0x3  }
0x96: {  	_ =	strace s3  }
0x97: {  	_ =	strace $0x8FFFFFFF  }
0x98: {  	s19 =	sld [smem:$0x3FDB];
	_ =	sdelay $0x1  }
0x99: {  	s4 =	simm.s32 $_scs_section_size  }
0x9a: {  	s5 =	simm.s32 $_size__tile_overlayer_lowered;
	s6 =	simm.s32 $_tile_overlayer_lowered  }
0x9b: {  	s22 =	simm.s32 $0x1BFF;
	s21 =	sshll.u32 s6, $0x1;
	s3 =	sadd.s32 s4, s19  }
0x9c: {  	s7 =	simm.s32 $0x0;
	s20 =	sshll.u32 s5, $0x1;
	s5 =	sadd.s32 s21, s3  }
0x9d: {  	[timem:s7], [sflag:s22] =	dma.local [hbm:s5], s20  }
0x9e: {  	_ =	swait.ge [sflag:s22], s20  }
0x9f: {  	s4 =	ssub.s32 $0x0, s20;
	[sflag:s22] =	ssyncset.done $0x0  }
0xa0: {  	[sflag:s22] =	ssyncadd.s32 s4;
	_ =	sdelay $0x1  }
0xa1: {  	s23 =	simm.s32 $0x1B8B  }
0xa2: {  	_ =	swait.ge [sflag:s23], $0x1  }
0xa3: {  	[sflag:s23] =	ssyncset.done $0x0  }
0xa4: {  	s25 =	simm.s32 $0x1B8E;
	s24 =	sld [smem:$0x3FFE];
	[sflag:s23] =	ssyncadd.s32 $0xFFFFFFFF  }
0xa5: {  	s26 =	simm.s32 $execute0_lowered;
	[smem:$0x3FD2] =	sst s25  }
0xa6: {  	s5 =	sshll.u32 s26, $0x1;
	_ =	strace $0x80000049;
	[dreg:$0x1] =	wrdreg $0xFFFFFFFF  }
0xa7: {  	s28 =	simm.s32 $_size_execute0_lowered;
	s3 =	sadd.s32 s3, s5;
	[dreg:$0x0] =	wrdreg $0x0  }
0xa8: {  	s5 =	sshll.u32 s28, $0x1;
	[dreg:$0x2] =	wrdreg s3  }
0xa9: {  	[dreg:$0x3] =	wrdreg s5  }
0xaa: {  	[dreg:$0x4] =	wrdreg $0xC0  }
0xab: {  	_ =	task [dreg:s7], $0x5FFFF  }
0xac: {  	[dreg:$0x1] =	wrdreg $0xFFFFFFFF  }
0xad: {  	[dreg:$0x0] =	wrdreg $0x60  }
0xae: {  	[dreg:$0x2] =	wrdreg s2  }
0xaf: {  	[dreg:$0x3] =	wrdreg s24  }
0xb0: {  	[dreg:$0x4] =	wrdreg $0xA8000  }
0xb1: {  	[dreg:$0x5] =	wrdreg $0x9  }
0xb2: {  	_ =	task.clear_ibuf [dreg:s7], $0x6FFFF;
	_ =	strace $0x90000049  }
0xb3: {  	s29 =	simm.s32 $0x9;
	_ =	strace $0x8000004B  }
0xb4: {  	_ =	swait.ge [sflag:s29], $0x1  }
0xb5: {  	[sflag:s29] =	ssyncadd.s32 $0xFFFFFFFF  }
0xb6: {  	_ =	strace $0x9000004B  }
0xb7: {  	_ =	sfence  }
0xb8: {  	s30 =	sld [smem:$0x0];
	_ =	sdelay $0x2  }
0xb9: {  	s31 =	sshll.u32 s1, $0xD;
	s1 =	sshrl.u32 s1, $0x2  }
0xba: {  	s3 =	sand.u32 $0x4000, s31;
	s1 =	sadd.s32 s1, s30  }
0xbb: {  	s0 =	sor.u32 s3, s0;
	s1 =	sshll.u32 s1, $0x11  }
0xbc: {  	s0 =	sor.u32 s1, s0  }
0xbd: {  	s0 =	sadd.s32 $0x8F2B, s0  }
0xbe: {  	[sflag:s0] =	ssyncadd.remote.s32 $0x1  }
0xbf: {  	_ =	sfence.sel $0xFFFF  }
0xc0: {  	[dreg:$0x0] =	wrdreg $0xFFFFFFFF;
	(pc) =	sbr.abs _section_cstart, $3  }
0xc1: {  	[dreg:$0x1] =	wrdreg $0xFFFFFFFF  }
0xc2: {  	_ =	task.clear_ibuf [dreg:s7], $0x2FFFF;
	_ =	strace $0x9FFFFFFF  }
0xc3: {  	(tm) =	ssettm $0x7FFFFFFF  }
tec
execute0_lowered:
.L_overlay_start_1:
0x0: {  	(tag) =	ssettag $0x1  }
0x1: {  	s1 =	rddreg [dreg:$0x0]  }
0x2: {  	s5 =	rddreg [dreg:$0x1]  }
0x3: {  	s2 =	rddreg [dreg:$0x2];
	s3 =	srdreg.scid  }
0x4: {  	s0 =	rddreg [dreg:$0x3];
	s4 =	simm.s32 $0x0;
	s16 =	simm.s32 $0x2800  }
0x5: {  	s17 =	simm.s32 $0x3;
	s18 =	simm.s32 $0x1400;
	s19 =	simm.s32 $0x80  }
0x6: {  	s20 =	simm.s32 $0x1;
	s21 =	simm.s32 $0x6800;
	s22 =	simm.s32 $0x2  }
0x7: {  	s23 =	simm.s32 $0x1380;
	s24 =	simm.s32 $0x2700;
	s6 =	sand.u32 $0x1, s3  }
0x8: {  	s25 =	simm.s32 $0x2780;
	s3 =	stileid.u32;
	s7 =	smul.u32 $0x140000, s6  }
0x9: {  	[smem:$0x7FF] =	sst s4;
	s9 =	sadd.s32 $0xC600, s5;
	s8 =	smul.u32 $0x14000, s3  }
0xa: {  	s10 =	sadd.s32 $0x2600, s5;
	s26 =	sshll.u32 s3, $0x1;
	s11 =	smul.u32 $0x50000, s3  }
0xb: {  	s28 =	ssub.s32 $0x2, s6;
	s7 =	sadd.s32 s8, s7;
	s8 =	sor.u32 s6, s26  }
0xc: {  	_ =	strace $0x8000004A;
	s30 =	sshrl.u32 s28, $0x1;
	s29 =	smul.u32 $0x2800, s8  }
0xd: {  	s11 =	sshrl.u32 s11, $0x2;
	s7 =	sshrl.u32 s7, $0x3;
	s8 =	smul.u32 $0x500, s8  }
0xe: {  	s13 =	ssub.s32 s28, s30;
	s12 =	sadd.s32 s7, s5;
	s5 =	sadd.s32 s11, s2  }
0xf: {  	s31 =	sshrl.u32 s29, $0x3;
	s6 =	sadd.s32 s9, s8;
	s7 =	sadd.s32 s10, s8  }
0x10: {  	s14 =	sadd.s32 $0xC000, s5;
	s15 =	sadd.s32 $0x10000, s5;
	s11 =	sadd.s32 $0x280, s31  }
0x11: {  	s8 =	sadd.s32 s9, s11;
	s9 =	sadd.s32 s10, s11;
	s10 =	sadd.s32 $0x16600, s12  }
0x12: {  	v0 =	vimm.f32 $0.0e+00;
	s11 =	smax.u32 s13, $0x1;
	s12 =	sadd.s32 $0x4000, s5;
	s13 =	sadd.s32 $0x8000, s5  }
.LBB2_1:
0x13: {  	s26 =	simm.s32 $0x0;
	s28 =	simm.s32 $0x200  }
.LBB2_2:
0x14: {  	p0 =	sne.s32 s28, $0xFE00;
	[tilespmem:s26+$0x2870] =	vst v0  }
0x15: {  	[tilespmem:s26+$0x2800] =	vst v0  }
0x16: {  	[tilespmem:s26+$0x2810] =	vst v0  }
.Ltmp0:
0x17: {  	[tilespmem:s26+$0x2820] =	vst v0;
	(pc) =	sbr.rel @p0 .LBB2_2-.Ltmp0, $4  }
0x18: {  	[tilespmem:s26+$0x2830] =	vst v0  }
0x19: {  	[tilespmem:s26+$0x2840] =	vst v0  }
0x1a: {  	[tilespmem:s26+$0x2850] =	vst v0  }
0x1b: {  	[tilespmem:s26+$0x2860] =	vst v0;
	s26 =	sshra.s32 s28, $0x2;
	s28 =	sadd.s32 $0x200, s28  }
0x1c: {  	[tilespmem:s26+$0x2870] =	vst v0  }
0x1d: {  	[tilespmem:s26+$0x2800] =	vst v0  }
0x1e: {  	[tilespmem:s26+$0x2810] =	vst v0  }
0x1f: {  	[tilespmem:s26+$0x2820] =	vst v0  }
0x20: {  	[tilespmem:s26+$0x2830] =	vst v0  }
0x21: {  	[tilespmem:s26+$0x2840] =	vst v0  }
0x22: {  	[tilespmem:s26+$0x2850] =	vst v0  }
0x23: {  	[tilespmem:s26+$0x2860] =	vst v0  }
0x24: {  	[spmem:s5] =	stream.linear.scatter [tilespmem:s16], [sflag:$0x3], $0x4000, $0x38;
	[tilespmem:$0x1E800] =	vst v63  }
0x25: {  	_ =	swait.ge [sflag:s17], $0x4000  }
0x26: {  	[sflag:s17] =	ssyncset.done $0x0  }
0x27: {  	[sflag:s17] =	ssyncadd.s32 $0xFFFFC000  }
0x28: {  	[spmem:s12] =	stream.linear.scatter [tilespmem:s16], [sflag:$0x3], $0x4000, $0x38;
	[tilespmem:$0x1E800] =	vst v63  }
0x29: {  	_ =	swait.ge [sflag:s17], $0x4000  }
0x2a: {  	[sflag:s17] =	ssyncset.done $0x0  }
0x2b: {  	[sflag:s17] =	ssyncadd.s32 $0xFFFFC000  }
0x2c: {  	[spmem:s13] =	stream.linear.scatter [tilespmem:s16], [sflag:$0x3], $0x4000, $0x38;
	[tilespmem:$0x1E800] =	vst v63  }
0x2d: {  	_ =	swait.ge [sflag:s17], $0x4000  }
0x2e: {  	[sflag:s17] =	ssyncset.done $0x0  }
0x2f: {  	[sflag:s17] =	ssyncadd.s32 $0xFFFFC000  }
0x30: {  	[spmem:s14] =	stream.linear.scatter [tilespmem:s16], [sflag:$0x3], $0x4000, $0x38;
	[tilespmem:$0x1E800] =	vst v63  }
0x31: {  	_ =	swait.ge [sflag:s17], $0x4000  }
0x32: {  	[sflag:s17] =	ssyncset.done $0x0  }
0x33: {  	[sflag:s17] =	ssyncadd.s32 $0xFFFFC000  }
0x34: {  	[spmem:s15] =	stream.linear.scatter [tilespmem:s16], [sflag:$0x3], $0x4000, $0x38;
	[tilespmem:$0x1E800] =	vst v63  }
0x35: {  	_ =	swait.ge [sflag:s17], $0x4000  }
0x36: {  	[sflag:s17] =	ssyncset.done $0x0  }
0x37: {  	[sflag:s17] =	ssyncadd.s32 $0xFFFFC000  }
0x38: {  	s31 =	simm.s32 $0x0;
	[bflag:$0x0] =	sbarrier.arrive $0xFFFF  }
0x39: {  	[tilespmem:s31], [sflag:$0x3] =	stream.linear.gather [hbm4b:s6+s31], $0x1400, $0x38;
	[tilespmem:$0x1E800] =	vst v63  }
0x3a: {  	_ =	swait.ge [sflag:s17], $0x1400  }
0x3b: {  	[sflag:s17] =	ssyncset.done $0x0  }
0x3c: {  	[sflag:s17] =	ssyncadd.s32 $0xFFFFEC00  }
0x3d: {  	[tilespmem:s18], [sflag:$0x3] =	stream.linear.gather [hbm4b:s7+s31], $0x1400, $0x38;
	[tilespmem:$0x1E800] =	vst v63  }
0x3e: {  	_ =	swait.ge [sflag:s17], $0x1400  }
0x3f: {  	[sflag:s17] =	ssyncset.done $0x0  }
0x40: {  	[sflag:s17] =	ssyncadd.s32 $0xFFFFEC00  }
0x41: {  	[tilespmem:s16], [sflag:$0x1] =	stream.indirect.gather [hbm4b:s1+s19], $0x80, s31, s19, $0xb8;
	[tilespmem:$0x1E800] =	vst v63  }
0x42: {  	_ =	swait.ge [sflag:s20], $0x4000  }
0x43: {  	[sflag:s20] =	ssyncset.done $0x0  }
0x44: {  	s28 =	simm.s32 $0x80;
	[sflag:s20] =	ssyncadd.s32 $0xFFFFC000  }
0x45: {  	[tilespmem:s21], [sflag:$0x2] =	stream.indirect.gather [hbm4b:s1+s19], $0x80, s28, s19, $0xb8;
	[tilespmem:$0x1E800] =	vst v63  }
0x46: {  	s29 =	simm.s32 $0x1400  }
0x47: {  	[spmem:s2] =	stream.indirect.scatter.add.f32 [tilespmem:s16], [sflag:$0x3], $0x80, s29, s19, $0xb8;
	[tilespmem:$0x1E800] =	vst v63  }
0x48: {  	_ =	swait.ge [sflag:s17], $0x4000  }
0x49: {  	[sflag:s17] =	ssyncset.done $0x0  }
0x4a: {  	[sflag:s17] =	ssyncadd.s32 $0xFFFFC000  }
0x4b: {  	_ =	swait.ge [sflag:s22], $0x4000  }
0x4c: {  	[sflag:s22] =	ssyncset.done $0x0  }
0x4d: {  	s30 =	simm.s32 $0x100;
	[sflag:s22] =	ssyncadd.s32 $0xFFFFC000  }
0x4e: {  	[tilespmem:s16], [sflag:$0x1] =	stream.indirect.gather [hbm4b:s1+s19], $0x80, s30, s19, $0xb8;
	[tilespmem:$0x1E800] =	vst v63  }
0x4f: {  	s31 =	simm.s32 $0x1480  }
0x50: {  	[spmem:s2] =	stream.indirect.scatter.add.f32 [tilespmem:s21], [sflag:$0x3], $0x80, s31, s19, $0xb8;
	[tilespmem:$0x1E800] =	vst v63  }
0x51: {  	_ =	swait.ge [sflag:s17], $0x4000  }
0x52: {  	s26 =	simm.s32 $0x400;
	[sflag:s17] =	ssyncset.done $0x0  }
.LBB2_4:
0x53: {  	p0 =	sne.s32 s26, $0x4800  }
0x54: {  	[sflag:s17] =	ssyncadd.s32 $0xFFFFC000;
	s28 =	smov.u32 s26;
	s26 =	sadd.s32 $0x400, s26  }
0x55: {  	_ = 	snop  }
0x56: {  	_ =	swait.ge [sflag:s20], $0x4000  }
0x57: {  	s28 =	sshra.s32 s28, $0x2;
	[sflag:s20] =	ssyncset.done $0x0  }
0x58: {  	s29 =	sadd.s32 $0x80, s28;
	[sflag:s20] =	ssyncadd.s32 $0xFFFFC000  }
0x59: {  	[tilespmem:s21], [sflag:$0x2] =	stream.indirect.gather [hbm4b:s1+s19], $0x80, s29, s19, $0xb8;
	[tilespmem:$0x1E800] =	vst v63  }
0x5a: {  	s29 =	sadd.s32 $0x1400, s28  }
0x5b: {  	[spmem:s2] =	stream.indirect.scatter.add.f32 [tilespmem:s16], [sflag:$0x3], $0x80, s29, s19, $0xb8;
	[tilespmem:$0x1E800] =	vst v63  }
0x5c: {  	_ =	swait.ge [sflag:s17], $0x4000  }
0x5d: {  	[sflag:s17] =	ssyncset.done $0x0  }
0x5e: {  	[sflag:s17] =	ssyncadd.s32 $0xFFFFC000  }
0x5f: {  	_ =	swait.ge [sflag:s22], $0x4000  }
0x60: {  	[sflag:s22] =	ssyncset.done $0x0  }
0x61: {  	s29 =	sadd.s32 $0x100, s28;
	[sflag:s22] =	ssyncadd.s32 $0xFFFFC000  }
0x62: {  	[tilespmem:s16], [sflag:$0x1] =	stream.indirect.gather [hbm4b:s1+s19], $0x80, s29, s19, $0xb8;
	[tilespmem:$0x1E800] =	vst v63  }
.Ltmp1:
0x63: {  	_ = 	snop;
	(pc) =	sbr.rel @p0 .LBB2_4-.Ltmp1, $4  }
0x64: {  	s28 =	sadd.s32 $0x1480, s28  }
0x65: {  	[spmem:s2] =	stream.indirect.scatter.add.f32 [tilespmem:s21], [sflag:$0x3], $0x80, s28, s19, $0xb8;
	[tilespmem:$0x1E800] =	vst v63  }
0x66: {  	_ =	swait.ge [sflag:s17], $0x4000  }
0x67: {  	[sflag:s17] =	ssyncset.done $0x0  }
0x68: {  	[sflag:s17] =	ssyncadd.s32 $0xFFFFC000  }
0x69: {  	_ =	swait.ge [sflag:s20], $0x4000  }
0x6a: {  	[sflag:s20] =	ssyncset.done $0x0  }
0x6b: {  	[sflag:s20] =	ssyncadd.s32 $0xFFFFC000  }
0x6c: {  	[tilespmem:s21], [sflag:$0x2] =	stream.indirect.gather [hbm4b:s1+s19], $0x80, s23, s19, $0xb8;
	[tilespmem:$0x1E800] =	vst v63  }
0x6d: {  	_ = 	snop  }
0x6e: {  	[spmem:s2] =	stream.indirect.scatter.add.f32 [tilespmem:s16], [sflag:$0x3], $0x80, s24, s19, $0xb8;
	[tilespmem:$0x1E800] =	vst v63  }
0x6f: {  	_ =	swait.ge [sflag:s17], $0x4000  }
0x70: {  	[sflag:s17] =	ssyncset.done $0x0  }
0x71: {  	[sflag:s17] =	ssyncadd.s32 $0xFFFFC000  }
0x72: {  	_ =	swait.ge [sflag:s22], $0x4000  }
0x73: {  	[sflag:s22] =	ssyncset.done $0x0  }
0x74: {  	[sflag:s22] =	ssyncadd.s32 $0xFFFFC000  }
0x75: {  	[tilespmem:s16], [sflag:$0x1] =	stream.indirect.gather [hbm4b:s1+s19], $0x80, s23, s19, $0xb8;
	[tilespmem:$0x1E800] =	vst v63  }
0x76: {  	_ = 	snop  }
0x77: {  	[spmem:s2] =	stream.indirect.scatter.add.f32 [tilespmem:s21], [sflag:$0x3], $0x80, s25, s19, $0xb8;
	[tilespmem:$0x1E800] =	vst v63  }
0x78: {  	_ =	swait.ge [sflag:s17], $0x4000  }
0x79: {  	[sflag:s17] =	ssyncset.done $0x0  }
0x7a: {  	[sflag:s17] =	ssyncadd.s32 $0xFFFFC000  }
0x7b: {  	_ =	swait.ge [sflag:s20], $0x4000  }
0x7c: {  	[sflag:s20] =	ssyncset.done $0x0  }
0x7d: {  	s26 =	simm.s32 $0x0;
	[sflag:s20] =	ssyncadd.s32 $0xFFFFC000  }
0x7e: {  	[tilespmem:s26], [sflag:$0x3] =	stream.linear.gather [hbm4b:s8+s26], $0x1400, $0x38;
	[tilespmem:$0x1E800] =	vst v63  }
0x7f: {  	_ =	swait.ge [sflag:s17], $0x1400  }
0x80: {  	[sflag:s17] =	ssyncset.done $0x0  }
0x81: {  	[sflag:s17] =	ssyncadd.s32 $0xFFFFEC00  }
0x82: {  	[tilespmem:s18], [sflag:$0x3] =	stream.linear.gather [hbm4b:s9+s26], $0x1400, $0x38;
	[tilespmem:$0x1E800] =	vst v63  }
0x83: {  	_ =	swait.ge [sflag:s17], $0x1400  }
0x84: {  	[sflag:s17] =	ssyncset.done $0x0  }
0x85: {  	[sflag:s17] =	ssyncadd.s32 $0xFFFFEC00  }
0x86: {  	[tilespmem:s16], [sflag:$0x1] =	stream.indirect.gather [hbm4b:s1+s19], $0x80, s26, s19, $0xb8;
	[tilespmem:$0x1E800] =	vst v63  }
0x87: {  	_ =	swait.ge [sflag:s20], $0x4000  }
0x88: {  	[sflag:s20] =	ssyncset.done $0x0  }
0x89: {  	s28 =	simm.s32 $0x80;
	[sflag:s20] =	ssyncadd.s32 $0xFFFFC000  }
0x8a: {  	[tilespmem:s21], [sflag:$0x2] =	stream.indirect.gather [hbm4b:s1+s19], $0x80, s28, s19, $0xb8;
	[tilespmem:$0x1E800] =	vst v63  }
0x8b: {  	s29 =	simm.s32 $0x1400  }
0x8c: {  	[spmem:s2] =	stream.indirect.scatter.add.f32 [tilespmem:s16], [sflag:$0x3], $0x80, s29, s19, $0xb8;
	[tilespmem:$0x1E800] =	vst v63  }
0x8d: {  	_ =	swait.ge [sflag:s17], $0x4000  }
0x8e: {  	[sflag:s17] =	ssyncset.done $0x0  }
0x8f: {  	[sflag:s17] =	ssyncadd.s32 $0xFFFFC000  }
0x90: {  	_ =	swait.ge [sflag:s22], $0x4000  }
0x91: {  	[sflag:s22] =	ssyncset.done $0x0  }
0x92: {  	s30 =	simm.s32 $0x100;
	[sflag:s22] =	ssyncadd.s32 $0xFFFFC000  }
0x93: {  	[tilespmem:s16], [sflag:$0x1] =	stream.indirect.gather [hbm4b:s1+s19], $0x80, s30, s19, $0xb8;
	[tilespmem:$0x1E800] =	vst v63  }
0x94: {  	s31 =	simm.s32 $0x1480  }
0x95: {  	[spmem:s2] =	stream.indirect.scatter.add.f32 [tilespmem:s21], [sflag:$0x3], $0x80, s31, s19, $0xb8;
	[tilespmem:$0x1E800] =	vst v63  }
0x96: {  	_ =	swait.ge [sflag:s17], $0x4000  }
0x97: {  	s26 =	simm.s32 $0x400;
	[sflag:s17] =	ssyncset.done $0x0  }
.LBB2_6:
0x98: {  	p0 =	sne.s32 s26, $0x4800  }
0x99: {  	[sflag:s17] =	ssyncadd.s32 $0xFFFFC000;
	s28 =	smov.u32 s26;
	s26 =	sadd.s32 $0x400, s26  }
0x9a: {  	_ = 	snop  }
0x9b: {  	_ =	swait.ge [sflag:s20], $0x4000  }
0x9c: {  	s28 =	sshra.s32 s28, $0x2;
	[sflag:s20] =	ssyncset.done $0x0  }
0x9d: {  	s29 =	sadd.s32 $0x80, s28;
	[sflag:s20] =	ssyncadd.s32 $0xFFFFC000  }
0x9e: {  	[tilespmem:s21], [sflag:$0x2] =	stream.indirect.gather [hbm4b:s1+s19], $0x80, s29, s19, $0xb8;
	[tilespmem:$0x1E800] =	vst v63  }
0x9f: {  	s29 =	sadd.s32 $0x1400, s28  }
0xa0: {  	[spmem:s2] =	stream.indirect.scatter.add.f32 [tilespmem:s16], [sflag:$0x3], $0x80, s29, s19, $0xb8;
	[tilespmem:$0x1E800] =	vst v63  }
0xa1: {  	_ =	swait.ge [sflag:s17], $0x4000  }
0xa2: {  	[sflag:s17] =	ssyncset.done $0x0  }
0xa3: {  	[sflag:s17] =	ssyncadd.s32 $0xFFFFC000  }
0xa4: {  	_ =	swait.ge [sflag:s22], $0x4000  }
0xa5: {  	[sflag:s22] =	ssyncset.done $0x0  }
0xa6: {  	s29 =	sadd.s32 $0x100, s28;
	[sflag:s22] =	ssyncadd.s32 $0xFFFFC000  }
0xa7: {  	[tilespmem:s16], [sflag:$0x1] =	stream.indirect.gather [hbm4b:s1+s19], $0x80, s29, s19, $0xb8;
	[tilespmem:$0x1E800] =	vst v63  }
.Ltmp2:
0xa8: {  	_ = 	snop;
	(pc) =	sbr.rel @p0 .LBB2_6-.Ltmp2, $4  }
0xa9: {  	s28 =	sadd.s32 $0x1480, s28  }
0xaa: {  	[spmem:s2] =	stream.indirect.scatter.add.f32 [tilespmem:s21], [sflag:$0x3], $0x80, s28, s19, $0xb8;
	[tilespmem:$0x1E800] =	vst v63  }
0xab: {  	_ =	swait.ge [sflag:s17], $0x4000  }
0xac: {  	[sflag:s17] =	ssyncset.done $0x0  }
0xad: {  	[sflag:s17] =	ssyncadd.s32 $0xFFFFC000  }
0xae: {  	_ =	swait.ge [sflag:s20], $0x4000  }
0xaf: {  	[sflag:s20] =	ssyncset.done $0x0  }
0xb0: {  	[sflag:s20] =	ssyncadd.s32 $0xFFFFC000  }
0xb1: {  	[tilespmem:s21], [sflag:$0x2] =	stream.indirect.gather [hbm4b:s1+s19], $0x80, s23, s19, $0xb8;
	[tilespmem:$0x1E800] =	vst v63  }
0xb2: {  	_ = 	snop  }
0xb3: {  	[spmem:s2] =	stream.indirect.scatter.add.f32 [tilespmem:s16], [sflag:$0x3], $0x80, s24, s19, $0xb8;
	[tilespmem:$0x1E800] =	vst v63  }
0xb4: {  	_ =	swait.ge [sflag:s17], $0x4000  }
0xb5: {  	[sflag:s17] =	ssyncset.done $0x0  }
0xb6: {  	[sflag:s17] =	ssyncadd.s32 $0xFFFFC000  }
0xb7: {  	_ =	swait.ge [sflag:s22], $0x4000  }
0xb8: {  	[sflag:s22] =	ssyncset.done $0x0  }
0xb9: {  	[sflag:s22] =	ssyncadd.s32 $0xFFFFC000  }
0xba: {  	[tilespmem:s16], [sflag:$0x1] =	stream.indirect.gather [hbm4b:s1+s19], $0x80, s23, s19, $0xb8;
	[tilespmem:$0x1E800] =	vst v63  }
0xbb: {  	_ = 	snop  }
0xbc: {  	[spmem:s2] =	stream.indirect.scatter.add.f32 [tilespmem:s21], [sflag:$0x3], $0x80, s25, s19, $0xb8;
	[tilespmem:$0x1E800] =	vst v63  }
0xbd: {  	_ =	swait.ge [sflag:s17], $0x4000  }
0xbe: {  	[sflag:s17] =	ssyncset.done $0x0  }
0xbf: {  	[sflag:s17] =	ssyncadd.s32 $0xFFFFC000  }
0xc0: {  	_ =	swait.ge [sflag:s20], $0x4000  }
0xc1: {  	s26 =	sshll.u32 s3, $0x6;
	s4 =	sadd.s32 $0x1, s4;
	[sflag:s20] =	ssyncset.done $0x0  }
0xc2: {  	s28 =	sshrl.u32 s5, $0x3;
	p0 =	sne.s32 s4, s11;
	[sflag:s20] =	ssyncadd.s32 $0xFFFFC000  }
.Ltmp3:
0xc3: {  	s26 =	sor.u32 $0x1C03, s26;
	[bflag:$0x0] =	sbarrier.arrive $0xFFFF;
	(pc) =	sbr.rel @p0 .LBB2_1-.Ltmp3, $4  }
0xc4: {  	[hbm:s10], [sflag:s26] =	dma.local [spmem:s28], $0x2800  }
0xc5: {  	_ =	swait.ge [sflag:s17], $0x2800  }
0xc6: {  	[sflag:s17] =	ssyncset.done $0x0  }
0xc7: {  	[sflag:s17] =	ssyncadd.s32 $0xFFFFD800  }
0xc8: {  	_ =	sfence.sel $0x180000  }
0xc9: {  	[bflag:$0x0] =	sbarrier.arrive $0xFFFF  }
0xca: {  	p0 =	sne.s32 s3, $0x0;
	_ =	strace $0x9000004A  }
0xcb: {  	s0 =	sadd.s32 @!p0 $0x100000, s0;
	[bflag:$0x2] =	sbarrier.arrive $0xFFFF  }
0xcc: {  	[sflag:s0] =	ssyncadd.tile.s32 @!p0 $0x1;
	_ =	shalt  }
.Lfunc_end2:
_tile_overlayer_lowered:
.L_overlay_start_2:
0xcd: {  	(tag) =	ssettag $0x2  }
0xce: {  	s0 =	rddreg [dreg:$0x0];
	s2 =	stileid.u32  }
0xcf: {  	s1 =	rddreg [dreg:$0x1];
	p0 =	sne.s32 s2, $0x0  }
0xd0: {  	s3 =	rddreg [dreg:$0x2];
	[bflag:$0x3] =	sbarrier.arrive $0xFFFF;
	s2 =	simm.s32 @!p0 $0x1C03  }
0xd1: {  	[timem:s3], [sflag:s2] =	dma.local @!p0 [hbm:s0], s1  }
0xd2: {  	s0 =	simm.s32 @!p0 $0x3  }
0xd3: {  	_ =	swait.ge @!p0 [sflag:s0], s1  }
0xd4: {  	s1 =	ssub.s32 @!p0 $0x0, s1;
	[sflag:s0] =	ssyncset.done @!p0 $0x0  }
0xd5: {  	[sflag:s0] =	ssyncadd.s32 @!p0 s1  }
0xd6: {  	[bflag:$0x3] =	sbarrier.arrive $0xFFFF  }
0xd7: {  	_ =	shalt  }

</sc_bundles>
